<compile_context>
chip_gen: v7x
topology: tpu7x:2x2x1
jax: 0.10.2.dev20260603
libtpu: 0.0.44.dev20260713+nightly
codegen_flags: <defaults>
</compile_context>

<pallas_src>
import functools

import jax
import jax.numpy as jnp
from jax import lax
from jax.experimental import pallas as pl
from jax.experimental.pallas import tpu as pltpu
from jax.experimental.pallas import tpu_sc as plsc

N = 10000
NP = 10240
D = 256
E = 160000
HALF = D // 2

NC = 2
NS = 16
B = 128
NCH = 80
NIDX = 40
NB = 2
EP = NS * NCH * B
RPT = NP // NS

_MESH = plsc.VectorSubcoreMesh(core_axis_name="c", subcore_axis_name="s")



@functools.partial(
    pl.kernel,
    mesh=_MESH,
    out_type=(
        jax.ShapeDtypeStruct((NP, HALF), jnp.float32),
        jax.ShapeDtypeStruct((NP, HALF), jnp.float32),
    ),
    scratch_types=[
        pltpu.VMEM((NCH, B), jnp.int32),
        pltpu.VMEM((NCH, B), jnp.int32),
        pltpu.VMEM((B, HALF), jnp.float32),
        pltpu.VMEM_SHARED((NP, HALF), jnp.float32),
        pltpu.SemaphoreType.DMA,
    ],
)
def _agg_sc(gL_hbm, gR_hbm, src_hbm, dst_hbm, outL_hbm, outR_hbm,
            src_v, dst_v, rows_v, acc, sem):
    cid = lax.axis_index("c")
    sid = lax.axis_index("s")
    rows = pl.ds(sid * RPT, RPT)
    pltpu.sync_copy(src_hbm.at[sid], src_v)
    pltpu.sync_copy(dst_hbm.at[sid], dst_v)

    def run(g_hbm, out_hbm):
        pltpu.sync_copy(g_hbm.at[rows], acc.at[rows])
        plsc.subcore_barrier()

        def body(j, carry):
            pltpu.async_copy(g_hbm.at[src_v.at[j]], rows_v, sem).wait()
            pltpu.sync_copy(rows_v, acc.at[dst_v.at[j]], add=True)
            return carry

        lax.fori_loop(0, NCH, body, 0)
        plsc.subcore_barrier()
        pltpu.sync_copy(acc.at[rows], out_hbm.at[rows])

    @pl.when(cid == 0)
    def _():
        run(gL_hbm, outL_hbm)

    @pl.when(cid == 1)
    def _():
        run(gR_hbm, outR_hbm)



_R = 1000


def _dinv_of(deg_ref):
    return lax.rsqrt(deg_ref[:, :1])


def _mm1_body(x_ref, w_ref, deg_ref, gL_ref, gR_ref):
    dinv = _dinv_of(deg_ref)
    g = jnp.dot(x_ref[...], w_ref[...], preferred_element_type=jnp.float32) * dinv
    gL_ref[...] = g[:, :HALF]
    gR_ref[...] = g[:, HALF:]


def _mid_body(aL_ref, aR_ref, deg_ref, b_ref, w_ref, gL_ref, gR_ref):
    dinv = _dinv_of(deg_ref)
    a = jnp.concatenate([aL_ref[...], aR_ref[...]], axis=1)
    h = jnp.maximum(a * dinv + b_ref[...], 0.0)
    g = jnp.dot(h, w_ref[...], preferred_element_type=jnp.float32) * dinv
    gL_ref[...] = g[:, :HALF]
    gR_ref[...] = g[:, HALF:]


def _fin_body(aL_ref, aR_ref, deg_ref, b_ref, out_ref):
    dinv = _dinv_of(deg_ref)
    a = jnp.concatenate([aL_ref[...], aR_ref[...]], axis=1)
    out_ref[...] = a * dinv + b_ref[...]


_row_spec = lambda w: pl.BlockSpec((_R, w), lambda i: (i, 0))
_full_spec = lambda r, c: pl.BlockSpec((r, c), lambda i: (0, 0))

_half_shapes = (
    jax.ShapeDtypeStruct((NP, HALF), jnp.float32),
    jax.ShapeDtypeStruct((NP, HALF), jnp.float32),
)

_mm1 = pl.pallas_call(
    _mm1_body,
    grid=(N // _R,),
    in_specs=[_row_spec(D), _full_spec(D, D), _row_spec(HALF)],
    out_specs=[_row_spec(HALF), _row_spec(HALF)],
    out_shape=_half_shapes,
)

_mid = pl.pallas_call(
    _mid_body,
    grid=(N // _R,),
    in_specs=[_row_spec(HALF), _row_spec(HALF), _row_spec(HALF),
              _full_spec(1, D), _full_spec(D, D)],
    out_specs=[_row_spec(HALF), _row_spec(HALF)],
    out_shape=_half_shapes,
)

_fin = pl.pallas_call(
    _fin_body,
    grid=(N // _R,),
    in_specs=[_row_spec(HALF), _row_spec(HALF), _row_spec(HALF),
              _full_spec(1, D)],
    out_specs=_row_spec(D),
    out_shape=jax.ShapeDtypeStruct((N, D), jnp.float32),
)



def kernel(x, edge_index, W1, b1, W2, b2, W3, b3):
    src = jnp.concatenate(
        [edge_index[0].astype(jnp.int32), jnp.zeros((EP - E,), jnp.int32)]
    ).reshape(NS, NCH, B)
    dst = jnp.concatenate(
        [edge_index[1].astype(jnp.int32), jnp.full((EP - E,), N, jnp.int32)]
    ).reshape(NS, NCH, B)
    ones_np = jnp.ones((NP, HALF), jnp.float32)
    src0 = jnp.zeros((NS, NCH, B), jnp.int32)
    deg, _unused = _agg_sc(ones_np, ones_np, src0, dst)

    gL, gR = _mm1(x, W1, deg)
    aL, aR = _agg_sc(gL, gR, src, dst)
    gL, gR = _mid(aL, aR, deg, b1.reshape(1, D), W2)
    aL, aR = _agg_sc(gL, gR, src, dst)
    gL, gR = _mid(aL, aR, deg, b2.reshape(1, D), W3)
    aL, aR = _agg_sc(gL, gR, src, dst)
    return _fin(aL, aR, deg, b3.reshape(1, D))

# --- scband reference (transcript-rebuilt; emitter-appended) ---
"""Pipeline reference for scband-table-gcn-57466662420898 (READ-ONLY COPY).

The authoritative reference and input builder live on the scoring server;
editing this copy changes nothing except your own understanding.
"""

import jax, jax.numpy as jnp
import numpy as np

N_NODES = 10000
D = 256
N_EDGES = 160000
NUM_LAYERS = 3


def setup_inputs(seed: int = 0) -> dict:
    key = jax.random.key(seed)
    ks = jax.random.split(key, 10)
    x = jax.random.normal(ks[0], (N_NODES, D), dtype=jnp.float32)
    edge_index = jax.random.randint(ks[1], (2, N_EDGES), 0, N_NODES, dtype=jnp.int64)
    # GCNConv params: lin weight [in, out] (bias=False in lin; separate bias)
    scale = 1.0 / np.sqrt(D)
    W1 = jax.random.uniform(ks[2], (D, D), dtype=jnp.float32, minval=-scale, maxval=scale)
    b1 = jnp.zeros((D,), dtype=jnp.float32)
    W2 = jax.random.uniform(ks[3], (D, D), dtype=jnp.float32, minval=-scale, maxval=scale)
    b2 = jnp.zeros((D,), dtype=jnp.float32)
    W3 = jax.random.uniform(ks[4], (D, D), dtype=jnp.float32, minval=-scale, maxval=scale)
    b3 = jnp.zeros((D,), dtype=jnp.float32)
    return {"x": x, "edge_index": edge_index, "W1": W1, "b1": b1, "W2": W2, "b2": b2, "W3": W3, "b3": b3}


def _gcn_conv(x, src, dst, W, b, n_nodes):
    # h = X W
    h = x @ W
    # degree with self-loops (gcn_norm: A_hat = A + I, deg from A_hat)
    deg = jnp.zeros((n_nodes,), dtype=x.dtype).at[dst].add(1.0) + 1.0
    dinv = jax.lax.rsqrt(deg)
    norm = dinv[src] * dinv[dst]
    msgs = h[src] * norm[:, None]
    out = jnp.zeros_like(h).at[dst].add(msgs)
    # self-loop messages: norm_ii = dinv[i]^2
    out = out + h * (dinv * dinv)[:, None]
    return out + b


def reference(x, edge_index, W1, b1, W2, b2, W3, b3):
    src = edge_index[0]
    dst = edge_index[1]
    n = x.shape[0]
    # layer 1
    h = _gcn_conv(x, src, dst, W1, b1, n)
    h = jax.nn.relu(h)
    # dropout is identity at inference (training=False)
    # layer 2
    h = _gcn_conv(h, src, dst, W2, b2, n)
    h = jax.nn.relu(h)
    # layer 3 (no relu/dropout after last layer)
    h = _gcn_conv(h, src, dst, W3, b3, n)
    return h

if __name__ == "__main__":
    import jax
    _d = setup_inputs()
    print(jax.jit(kernel)(*tuple(_d.values())))

</pallas_src>

<mosaic_0001>
#map = affine_map<(d0, d1) -> (0, 0)>
#map1 = affine_map<(d0, d1) -> (0, 0, 0)>
module attributes {stable_mosaic.version = 14 : i64} {
  func.func @_agg_sc(%arg0: i32, %arg1: i32, %arg2: memref<10240x128xf32, #tpu.memory_space<hbm>>, %arg3: memref<10240x128xf32, #tpu.memory_space<hbm>>, %arg4: memref<16x80x128xi32, #tpu.memory_space<hbm>>, %arg5: memref<16x80x128xi32, #tpu.memory_space<hbm>>, %arg6: memref<10240x128xf32, #tpu.memory_space<hbm>>, %arg7: memref<10240x128xf32, #tpu.memory_space<hbm>>, %arg8: memref<80x128xi32, #tpu.memory_space<vmem>>, %arg9: memref<80x128xi32, #tpu.memory_space<vmem>>, %arg10: memref<128x128xf32, #tpu.memory_space<vmem>>, %arg11: memref<10240x128xf32, #tpu.memory_space<vmem_shared>>, %arg12: memref<!tpu.dma_semaphore, #tpu.memory_space<semaphore_mem>>) attributes {dimension_semantics = [#tpu.dimension_semantics<core_parallel>, #tpu.dimension_semantics<subcore_parallel>], iteration_bounds = array<i64: 2, 16>, scalar_prefetch = 0 : i64, scratch_operands = 5 : i64, tpu.core_type = #tpu.core_type<sc_vector_subcore>, window_params = [{transform_indices = #map}, {transform_indices = #map}, {transform_indices = #map1}, {transform_indices = #map1}, {transform_indices = #map}, {transform_indices = #map}]} {
    %mul3A = arith.constant 640 : i32
    %mul3A_0 = arith.muli %arg1, %mul3A : i32
    "tpu.region"() ({
      %run_scoped3A = tpu.sem_alloc : memref<!tpu.dma_semaphore, #tpu.memory_space<semaphore_mem>>
      %dma_start3A = arith.constant 0 : i32
      %dma_start3A_8 = arith.constant 0 : i32
      %dma_start3A_9 = tpu.memref_slice %arg4[%arg1, %dma_start3A, %dma_start3A_8] : memref<16x80x128xi32, #tpu.memory_space<hbm>> -> memref<1x80x128xi32, #tpu.memory_space<hbm>>
      %dma_start3A_10 = tpu.memref_squeeze %dma_start3A_9 : memref<1x80x128xi32, #tpu.memory_space<hbm>> -> memref<80x128xi32, #tpu.memory_space<hbm>>
      %dma_start3A_11 = arith.constant 0 : i32
      %dma_start3A_12 = arith.constant 0 : i32
      %dma_start3A_13 = tpu.memref_slice %arg4[%arg1, %dma_start3A_11, %dma_start3A_12] : memref<16x80x128xi32, #tpu.memory_space<hbm>> -> memref<1x80x128xi32, #tpu.memory_space<hbm>>
      %dma_start3A_14 = tpu.memref_squeeze %dma_start3A_13 : memref<1x80x128xi32, #tpu.memory_space<hbm>> -> memref<80x128xi32, #tpu.memory_space<hbm>>
      tpu.enqueue_dma source(%dma_start3A_14 : memref<80x128xi32, #tpu.memory_space<hbm>>) target(%arg8 : memref<80x128xi32, #tpu.memory_space<vmem>>) target_semaphore(%run_scoped3A : memref<!tpu.dma_semaphore, #tpu.memory_space<semaphore_mem>>)
      %dma_wait3A = arith.constant 0 : i32
      %dma_wait3A_15 = arith.constant 0 : i32
      %dma_wait3A_16 = tpu.memref_slice %arg4[%arg1, %dma_wait3A, %dma_wait3A_15] : memref<16x80x128xi32, #tpu.memory_space<hbm>> -> memref<1x80x128xi32, #tpu.memory_space<hbm>>
      %dma_wait3A_17 = tpu.memref_squeeze %dma_wait3A_16 : memref<1x80x128xi32, #tpu.memory_space<hbm>> -> memref<80x128xi32, #tpu.memory_space<hbm>>
      %dma_wait3A_18 = arith.constant 0 : i32
      %dma_wait3A_19 = arith.constant 0 : i32
      %dma_wait3A_20 = tpu.memref_slice %arg4[%arg1, %dma_wait3A_18, %dma_wait3A_19] : memref<16x80x128xi32, #tpu.memory_space<hbm>> -> memref<1x80x128xi32, #tpu.memory_space<hbm>>
      %dma_wait3A_21 = tpu.memref_squeeze %dma_wait3A_20 : memref<1x80x128xi32, #tpu.memory_space<hbm>> -> memref<80x128xi32, #tpu.memory_space<hbm>>
      tpu.wait_dma2 semaphore(%run_scoped3A : memref<!tpu.dma_semaphore, #tpu.memory_space<semaphore_mem>>) src(%dma_wait3A_21 : memref<80x128xi32, #tpu.memory_space<hbm>>) dst(%arg8 : memref<80x128xi32, #tpu.memory_space<vmem>>)
      tpu.yield
    }) : () -> ()
    "tpu.region"() ({
      %run_scoped3A = tpu.sem_alloc : memref<!tpu.dma_semaphore, #tpu.memory_space<semaphore_mem>>
      %dma_start3A = arith.constant 0 : i32
      %dma_start3A_8 = arith.constant 0 : i32
      %dma_start3A_9 = tpu.memref_slice %arg5[%arg1, %dma_start3A, %dma_start3A_8] : memref<16x80x128xi32, #tpu.memory_space<hbm>> -> memref<1x80x128xi32, #tpu.memory_space<hbm>>
      %dma_start3A_10 = tpu.memref_squeeze %dma_start3A_9 : memref<1x80x128xi32, #tpu.memory_space<hbm>> -> memref<80x128xi32, #tpu.memory_space<hbm>>
      %dma_start3A_11 = arith.constant 0 : i32
      %dma_start3A_12 = arith.constant 0 : i32
      %dma_start3A_13 = tpu.memref_slice %arg5[%arg1, %dma_start3A_11, %dma_start3A_12] : memref<16x80x128xi32, #tpu.memory_space<hbm>> -> memref<1x80x128xi32, #tpu.memory_space<hbm>>
      %dma_start3A_14 = tpu.memref_squeeze %dma_start3A_13 : memref<1x80x128xi32, #tpu.memory_space<hbm>> -> memref<80x128xi32, #tpu.memory_space<hbm>>
      tpu.enqueue_dma source(%dma_start3A_14 : memref<80x128xi32, #tpu.memory_space<hbm>>) target(%arg9 : memref<80x128xi32, #tpu.memory_space<vmem>>) target_semaphore(%run_scoped3A : memref<!tpu.dma_semaphore, #tpu.memory_space<semaphore_mem>>)
      %dma_wait3A = arith.constant 0 : i32
      %dma_wait3A_15 = arith.constant 0 : i32
      %dma_wait3A_16 = tpu.memref_slice %arg5[%arg1, %dma_wait3A, %dma_wait3A_15] : memref<16x80x128xi32, #tpu.memory_space<hbm>> -> memref<1x80x128xi32, #tpu.memory_space<hbm>>
      %dma_wait3A_17 = tpu.memref_squeeze %dma_wait3A_16 : memref<1x80x128xi32, #tpu.memory_space<hbm>> -> memref<80x128xi32, #tpu.memory_space<hbm>>
      %dma_wait3A_18 = arith.constant 0 : i32
      %dma_wait3A_19 = arith.constant 0 : i32
      %dma_wait3A_20 = tpu.memref_slice %arg5[%arg1, %dma_wait3A_18, %dma_wait3A_19] : memref<16x80x128xi32, #tpu.memory_space<hbm>> -> memref<1x80x128xi32, #tpu.memory_space<hbm>>
      %dma_wait3A_21 = tpu.memref_squeeze %dma_wait3A_20 : memref<1x80x128xi32, #tpu.memory_space<hbm>> -> memref<80x128xi32, #tpu.memory_space<hbm>>
      tpu.wait_dma2 semaphore(%run_scoped3A : memref<!tpu.dma_semaphore, #tpu.memory_space<semaphore_mem>>) src(%dma_wait3A_21 : memref<80x128xi32, #tpu.memory_space<hbm>>) dst(%arg9 : memref<80x128xi32, #tpu.memory_space<vmem>>)
      tpu.yield
    }) : () -> ()
    %eq3A = arith.constant 0 : i32
    %eq3A_1 = arith.cmpi eq, %arg0, %eq3A : i32
    %convert_element_type3A = arith.extui %eq3A_1 : i1 to i32
    %cond3A = arith.constant 0 : i32
    %cond3A_2 = arith.cmpi ne, %convert_element_type3A, %cond3A : i32
    scf.if %cond3A_2 {
      "tpu.region"() ({
        %run_scoped3A = tpu.sem_alloc : memref<!tpu.dma_semaphore, #tpu.memory_space<semaphore_mem>>
        %dma_start3A = arith.constant 0 : i32
        %dma_start3A_14 = tpu.memref_slice %arg11[%mul3A_0, %dma_start3A] : memref<10240x128xf32, #tpu.memory_space<vmem_shared>> -> memref<640x128xf32, #tpu.memory_space<vmem_shared>>
        %dma_start3A_15 = arith.constant 0 : i32
        %dma_start3A_16 = tpu.memref_slice %arg2[%mul3A_0, %dma_start3A_15] : memref<10240x128xf32, #tpu.memory_space<hbm>> -> memref<640x128xf32, #tpu.memory_space<hbm>>
        tpu.enqueue_dma source(%dma_start3A_16 : memref<640x128xf32, #tpu.memory_space<hbm>>) target(%dma_start3A_14 : memref<640x128xf32, #tpu.memory_space<vmem_shared>>) target_semaphore(%run_scoped3A : memref<!tpu.dma_semaphore, #tpu.memory_space<semaphore_mem>>)
        %dma_wait3A = arith.constant 0 : i32
        %dma_wait3A_17 = tpu.memref_slice %arg11[%mul3A_0, %dma_wait3A] : memref<10240x128xf32, #tpu.memory_space<vmem_shared>> -> memref<640x128xf32, #tpu.memory_space<vmem_shared>>
        %dma_wait3A_18 = arith.constant 0 : i32
        %dma_wait3A_19 = tpu.memref_slice %arg2[%mul3A_0, %dma_wait3A_18] : memref<10240x128xf32, #tpu.memory_space<hbm>> -> memref<640x128xf32, #tpu.memory_space<hbm>>
        tpu.wait_dma2 semaphore(%run_scoped3A : memref<!tpu.dma_semaphore, #tpu.memory_space<semaphore_mem>>) src(%dma_wait3A_19 : memref<640x128xf32, #tpu.memory_space<hbm>>) dst(%dma_wait3A_17 : memref<640x128xf32, #tpu.memory_space<vmem_shared>>)
        tpu.yield
      }) : () -> ()
      %barrier3A = arith.constant 0 : index
      tpu.barrier barrier_id(%barrier3A)
      %scan3A = arith.constant 0 : i32
      %scan3A_8 = arith.constant 0 : i32
      %scan3A_9 = arith.constant 80 : i32
      %scan3A_10 = arith.addi %scan3A_8, %scan3A_9 : i32
      %scan3A_11 = arith.constant 1 : i32
      scf.for %scan3A_14 = %scan3A_8 to %scan3A_10 step %scan3A_11  : i32 {
        %dma_start3A = arith.constant 0 : i32
        %dma_start3A_15 = tpu.memref_slice %arg8[%scan3A_14, %dma_start3A] : memref<80x128xi32, #tpu.memory_space<vmem>> -> memref<1x128xi32, #tpu.memory_space<vmem>>
        %dma_start3A_16 = tpu.memref_squeeze %dma_start3A_15 : memref<1x128xi32, #tpu.memory_space<vmem>> -> memref<128xi32, #tpu.memory_space<vmem>>
        %dma_start3A_17 = arith.constant 0 : i32
        %dma_start3A_18 = arith.constant 0 : i32
        %dma_start3A_19 = tpu.memref_slice %arg2[%dma_start3A_17, %dma_start3A_18] : memref<10240x128xf32, #tpu.memory_space<hbm>> -> memref<10240x128xf32, #tpu.memory_space<hbm>>
        tpu.enqueue_indirect_dma source(%dma_start3A_19 : memref<10240x128xf32, #tpu.memory_space<hbm>>) target(%arg10 : memref<128x128xf32, #tpu.memory_space<vmem>>) offsets(%dma_start3A_16 : memref<128xi32, #tpu.memory_space<vmem>>) semaphore(%arg12 : memref<!tpu.dma_semaphore, #tpu.memory_space<semaphore_mem>>)
        %dma_wait3A = arith.constant 0 : i32
        %dma_wait3A_20 = tpu.memref_slice %arg8[%scan3A_14, %dma_wait3A] : memref<80x128xi32, #tpu.memory_space<vmem>> -> memref<1x128xi32, #tpu.memory_space<vmem>>
        %dma_wait3A_21 = tpu.memref_squeeze %dma_wait3A_20 : memref<1x128xi32, #tpu.memory_space<vmem>> -> memref<128xi32, #tpu.memory_space<vmem>>
        %dma_wait3A_22 = arith.constant 0 : i32
        %dma_wait3A_23 = arith.constant 0 : i32
        %dma_wait3A_24 = tpu.memref_slice %arg2[%dma_wait3A_22, %dma_wait3A_23] : memref<10240x128xf32, #tpu.memory_space<hbm>> -> memref<10240x128xf32, #tpu.memory_space<hbm>>
        tpu.wait_indirect_dma semaphore(%arg12 : memref<!tpu.dma_semaphore, #tpu.memory_space<semaphore_mem>>) src(%dma_wait3A_24 : memref<10240x128xf32, #tpu.memory_space<hbm>>) dst(%arg10 : memref<128x128xf32, #tpu.memory_space<vmem>>)
        "tpu.region"() ({
          %run_scoped3A = tpu.sem_alloc : memref<!tpu.dma_semaphore, #tpu.memory_space<semaphore_mem>>
          %dma_start3A_25 = arith.constant 0 : i32
          %dma_start3A_26 = tpu.memref_slice %arg9[%scan3A_14, %dma_start3A_25] : memref<80x128xi32, #tpu.memory_space<vmem>> -> memref<1x128xi32, #tpu.memory_space<vmem>>
          %dma_start3A_27 = tpu.memref_squeeze %dma_start3A_26 : memref<1x128xi32, #tpu.memory_space<vmem>> -> memref<128xi32, #tpu.memory_space<vmem>>
          %dma_start3A_28 = arith.constant 0 : i32
          %dma_start3A_29 = arith.constant 0 : i32
          %dma_start3A_30 = tpu.memref_slice %arg11[%dma_start3A_28, %dma_start3A_29] : memref<10240x128xf32, #tpu.memory_space<vmem_shared>> -> memref<10240x128xf32, #tpu.memory_space<vmem_shared>>
          tpu.enqueue_indirect_dma source(%arg10 : memref<128x128xf32, #tpu.memory_space<vmem>>) target(%dma_start3A_30 : memref<10240x128xf32, #tpu.memory_space<vmem_shared>>) offsets(%dma_start3A_27 : memref<128xi32, #tpu.memory_space<vmem>>) semaphore(%run_scoped3A : memref<!tpu.dma_semaphore, #tpu.memory_space<semaphore_mem>>) {add = true}
          %dma_wait3A_31 = arith.constant 0 : i32
          %dma_wait3A_32 = tpu.memref_slice %arg9[%scan3A_14, %dma_wait3A_31] : memref<80x128xi32, #tpu.memory_space<vmem>> -> memref<1x128xi32, #tpu.memory_space<vmem>>
          %dma_wait3A_33 = tpu.memref_squeeze %dma_wait3A_32 : memref<1x128xi32, #tpu.memory_space<vmem>> -> memref<128xi32, #tpu.memory_space<vmem>>
          %dma_wait3A_34 = arith.constant 0 : i32
          %dma_wait3A_35 = arith.constant 0 : i32
          %dma_wait3A_36 = tpu.memref_slice %arg11[%dma_wait3A_34, %dma_wait3A_35] : memref<10240x128xf32, #tpu.memory_space<vmem_shared>> -> memref<10240x128xf32, #tpu.memory_space<vmem_shared>>
          tpu.wait_indirect_dma semaphore(%run_scoped3A : memref<!tpu.dma_semaphore, #tpu.memory_space<semaphore_mem>>) src(%arg10 : memref<128x128xf32, #tpu.memory_space<vmem>>) dst(%dma_wait3A_36 : memref<10240x128xf32, #tpu.memory_space<vmem_shared>>)
          tpu.yield
        }) : () -> ()
      }
      %scan3A_12 = arith.constant 80 : i32
      %barrier3A_13 = arith.constant 0 : index
      tpu.barrier barrier_id(%barrier3A_13)
      "tpu.region"() ({
        %run_scoped3A = tpu.sem_alloc : memref<!tpu.dma_semaphore, #tpu.memory_space<semaphore_mem>>
        %dma_start3A = arith.constant 0 : i32
        %dma_start3A_14 = tpu.memref_slice %arg6[%mul3A_0, %dma_start3A] : memref<10240x128xf32, #tpu.memory_space<hbm>> -> memref<640x128xf32, #tpu.memory_space<hbm>>
        %dma_start3A_15 = arith.constant 0 : i32
        %dma_start3A_16 = tpu.memref_slice %arg11[%mul3A_0, %dma_start3A_15] : memref<10240x128xf32, #tpu.memory_space<vmem_shared>> -> memref<640x128xf32, #tpu.memory_space<vmem_shared>>
        tpu.enqueue_dma source(%dma_start3A_16 : memref<640x128xf32, #tpu.memory_space<vmem_shared>>) target(%dma_start3A_14 : memref<640x128xf32, #tpu.memory_space<hbm>>) target_semaphore(%run_scoped3A : memref<!tpu.dma_semaphore, #tpu.memory_space<semaphore_mem>>)
        %dma_wait3A = arith.constant 0 : i32
        %dma_wait3A_17 = tpu.memref_slice %arg6[%mul3A_0, %dma_wait3A] : memref<10240x128xf32, #tpu.memory_space<hbm>> -> memref<640x128xf32, #tpu.memory_space<hbm>>
        %dma_wait3A_18 = arith.constant 0 : i32
        %dma_wait3A_19 = tpu.memref_slice %arg11[%mul3A_0, %dma_wait3A_18] : memref<10240x128xf32, #tpu.memory_space<vmem_shared>> -> memref<640x128xf32, #tpu.memory_space<vmem_shared>>
        tpu.wait_dma2 semaphore(%run_scoped3A : memref<!tpu.dma_semaphore, #tpu.memory_space<semaphore_mem>>) src(%dma_wait3A_19 : memref<640x128xf32, #tpu.memory_space<vmem_shared>>) dst(%dma_wait3A_17 : memref<640x128xf32, #tpu.memory_space<hbm>>)
        tpu.yield
      }) : () -> ()
    } else {
    }
    %eq3A_3 = arith.constant 1 : i32
    %eq3A_4 = arith.cmpi eq, %arg0, %eq3A_3 : i32
    %convert_element_type3A_5 = arith.extui %eq3A_4 : i1 to i32
    %cond3A_6 = arith.constant 0 : i32
    %cond3A_7 = arith.cmpi ne, %convert_element_type3A_5, %cond3A_6 : i32
    scf.if %cond3A_7 {
      "tpu.region"() ({
        %run_scoped3A = tpu.sem_alloc : memref<!tpu.dma_semaphore, #tpu.memory_space<semaphore_mem>>
        %dma_start3A = arith.constant 0 : i32
        %dma_start3A_14 = tpu.memref_slice %arg11[%mul3A_0, %dma_start3A] : memref<10240x128xf32, #tpu.memory_space<vmem_shared>> -> memref<640x128xf32, #tpu.memory_space<vmem_shared>>
        %dma_start3A_15 = arith.constant 0 : i32
        %dma_start3A_16 = tpu.memref_slice %arg3[%mul3A_0, %dma_start3A_15] : memref<10240x128xf32, #tpu.memory_space<hbm>> -> memref<640x128xf32, #tpu.memory_space<hbm>>
        tpu.enqueue_dma source(%dma_start3A_16 : memref<640x128xf32, #tpu.memory_space<hbm>>) target(%dma_start3A_14 : memref<640x128xf32, #tpu.memory_space<vmem_shared>>) target_semaphore(%run_scoped3A : memref<!tpu.dma_semaphore, #tpu.memory_space<semaphore_mem>>)
        %dma_wait3A = arith.constant 0 : i32
        %dma_wait3A_17 = tpu.memref_slice %arg11[%mul3A_0, %dma_wait3A] : memref<10240x128xf32, #tpu.memory_space<vmem_shared>> -> memref<640x128xf32, #tpu.memory_space<vmem_shared>>
        %dma_wait3A_18 = arith.constant 0 : i32
        %dma_wait3A_19 = tpu.memref_slice %arg3[%mul3A_0, %dma_wait3A_18] : memref<10240x128xf32, #tpu.memory_space<hbm>> -> memref<640x128xf32, #tpu.memory_space<hbm>>
        tpu.wait_dma2 semaphore(%run_scoped3A : memref<!tpu.dma_semaphore, #tpu.memory_space<semaphore_mem>>) src(%dma_wait3A_19 : memref<640x128xf32, #tpu.memory_space<hbm>>) dst(%dma_wait3A_17 : memref<640x128xf32, #tpu.memory_space<vmem_shared>>)
        tpu.yield
      }) : () -> ()
      %barrier3A = arith.constant 0 : index
      tpu.barrier barrier_id(%barrier3A)
      %scan3A = arith.constant 0 : i32
      %scan3A_8 = arith.constant 0 : i32
      %scan3A_9 = arith.constant 80 : i32
      %scan3A_10 = arith.addi %scan3A_8, %scan3A_9 : i32
      %scan3A_11 = arith.constant 1 : i32
      scf.for %scan3A_14 = %scan3A_8 to %scan3A_10 step %scan3A_11  : i32 {
        %dma_start3A = arith.constant 0 : i32
        %dma_start3A_15 = tpu.memref_slice %arg8[%scan3A_14, %dma_start3A] : memref<80x128xi32, #tpu.memory_space<vmem>> -> memref<1x128xi32, #tpu.memory_space<vmem>>
        %dma_start3A_16 = tpu.memref_squeeze %dma_start3A_15 : memref<1x128xi32, #tpu.memory_space<vmem>> -> memref<128xi32, #tpu.memory_space<vmem>>
        %dma_start3A_17 = arith.constant 0 : i32
        %dma_start3A_18 = arith.constant 0 : i32
        %dma_start3A_19 = tpu.memref_slice %arg3[%dma_start3A_17, %dma_start3A_18] : memref<10240x128xf32, #tpu.memory_space<hbm>> -> memref<10240x128xf32, #tpu.memory_space<hbm>>
        tpu.enqueue_indirect_dma source(%dma_start3A_19 : memref<10240x128xf32, #tpu.memory_space<hbm>>) target(%arg10 : memref<128x128xf32, #tpu.memory_space<vmem>>) offsets(%dma_start3A_16 : memref<128xi32, #tpu.memory_space<vmem>>) semaphore(%arg12 : memref<!tpu.dma_semaphore, #tpu.memory_space<semaphore_mem>>)
        %dma_wait3A = arith.constant 0 : i32
        %dma_wait3A_20 = tpu.memref_slice %arg8[%scan3A_14, %dma_wait3A] : memref<80x128xi32, #tpu.memory_space<vmem>> -> memref<1x128xi32, #tpu.memory_space<vmem>>
        %dma_wait3A_21 = tpu.memref_squeeze %dma_wait3A_20 : memref<1x128xi32, #tpu.memory_space<vmem>> -> memref<128xi32, #tpu.memory_space<vmem>>
        %dma_wait3A_22 = arith.constant 0 : i32
        %dma_wait3A_23 = arith.constant 0 : i32
        %dma_wait3A_24 = tpu.memref_slice %arg3[%dma_wait3A_22, %dma_wait3A_23] : memref<10240x128xf32, #tpu.memory_space<hbm>> -> memref<10240x128xf32, #tpu.memory_space<hbm>>
        tpu.wait_indirect_dma semaphore(%arg12 : memref<!tpu.dma_semaphore, #tpu.memory_space<semaphore_mem>>) src(%dma_wait3A_24 : memref<10240x128xf32, #tpu.memory_space<hbm>>) dst(%arg10 : memref<128x128xf32, #tpu.memory_space<vmem>>)
        "tpu.region"() ({
          %run_scoped3A = tpu.sem_alloc : memref<!tpu.dma_semaphore, #tpu.memory_space<semaphore_mem>>
          %dma_start3A_25 = arith.constant 0 : i32
          %dma_start3A_26 = tpu.memref_slice %arg9[%scan3A_14, %dma_start3A_25] : memref<80x128xi32, #tpu.memory_space<vmem>> -> memref<1x128xi32, #tpu.memory_space<vmem>>
          %dma_start3A_27 = tpu.memref_squeeze %dma_start3A_26 : memref<1x128xi32, #tpu.memory_space<vmem>> -> memref<128xi32, #tpu.memory_space<vmem>>
          %dma_start3A_28 = arith.constant 0 : i32
          %dma_start3A_29 = arith.constant 0 : i32
          %dma_start3A_30 = tpu.memref_slice %arg11[%dma_start3A_28, %dma_start3A_29] : memref<10240x128xf32, #tpu.memory_space<vmem_shared>> -> memref<10240x128xf32, #tpu.memory_space<vmem_shared>>
          tpu.enqueue_indirect_dma source(%arg10 : memref<128x128xf32, #tpu.memory_space<vmem>>) target(%dma_start3A_30 : memref<10240x128xf32, #tpu.memory_space<vmem_shared>>) offsets(%dma_start3A_27 : memref<128xi32, #tpu.memory_space<vmem>>) semaphore(%run_scoped3A : memref<!tpu.dma_semaphore, #tpu.memory_space<semaphore_mem>>) {add = true}
          %dma_wait3A_31 = arith.constant 0 : i32
          %dma_wait3A_32 = tpu.memref_slice %arg9[%scan3A_14, %dma_wait3A_31] : memref<80x128xi32, #tpu.memory_space<vmem>> -> memref<1x128xi32, #tpu.memory_space<vmem>>
          %dma_wait3A_33 = tpu.memref_squeeze %dma_wait3A_32 : memref<1x128xi32, #tpu.memory_space<vmem>> -> memref<128xi32, #tpu.memory_space<vmem>>
          %dma_wait3A_34 = arith.constant 0 : i32
          %dma_wait3A_35 = arith.constant 0 : i32
          %dma_wait3A_36 = tpu.memref_slice %arg11[%dma_wait3A_34, %dma_wait3A_35] : memref<10240x128xf32, #tpu.memory_space<vmem_shared>> -> memref<10240x128xf32, #tpu.memory_space<vmem_shared>>
          tpu.wait_indirect_dma semaphore(%run_scoped3A : memref<!tpu.dma_semaphore, #tpu.memory_space<semaphore_mem>>) src(%arg10 : memref<128x128xf32, #tpu.memory_space<vmem>>) dst(%dma_wait3A_36 : memref<10240x128xf32, #tpu.memory_space<vmem_shared>>)
          tpu.yield
        }) : () -> ()
      }
      %scan3A_12 = arith.constant 80 : i32
      %barrier3A_13 = arith.constant 0 : index
      tpu.barrier barrier_id(%barrier3A_13)
      "tpu.region"() ({
        %run_scoped3A = tpu.sem_alloc : memref<!tpu.dma_semaphore, #tpu.memory_space<semaphore_mem>>
        %dma_start3A = arith.constant 0 : i32
        %dma_start3A_14 = tpu.memref_slice %arg7[%mul3A_0, %dma_start3A] : memref<10240x128xf32, #tpu.memory_space<hbm>> -> memref<640x128xf32, #tpu.memory_space<hbm>>
        %dma_start3A_15 = arith.constant 0 : i32
        %dma_start3A_16 = tpu.memref_slice %arg11[%mul3A_0, %dma_start3A_15] : memref<10240x128xf32, #tpu.memory_space<vmem_shared>> -> memref<640x128xf32, #tpu.memory_space<vmem_shared>>
        tpu.enqueue_dma source(%dma_start3A_16 : memref<640x128xf32, #tpu.memory_space<vmem_shared>>) target(%dma_start3A_14 : memref<640x128xf32, #tpu.memory_space<hbm>>) target_semaphore(%run_scoped3A : memref<!tpu.dma_semaphore, #tpu.memory_space<semaphore_mem>>)
        %dma_wait3A = arith.constant 0 : i32
        %dma_wait3A_17 = tpu.memref_slice %arg7[%mul3A_0, %dma_wait3A] : memref<10240x128xf32, #tpu.memory_space<hbm>> -> memref<640x128xf32, #tpu.memory_space<hbm>>
        %dma_wait3A_18 = arith.constant 0 : i32
        %dma_wait3A_19 = tpu.memref_slice %arg11[%mul3A_0, %dma_wait3A_18] : memref<10240x128xf32, #tpu.memory_space<vmem_shared>> -> memref<640x128xf32, #tpu.memory_space<vmem_shared>>
        tpu.wait_dma2 semaphore(%run_scoped3A : memref<!tpu.dma_semaphore, #tpu.memory_space<semaphore_mem>>) src(%dma_wait3A_19 : memref<640x128xf32, #tpu.memory_space<vmem_shared>>) dst(%dma_wait3A_17 : memref<640x128xf32, #tpu.memory_space<hbm>>)
        tpu.yield
      }) : () -> ()
    } else {
    }
    return
  }
}

#map = affine_map<(d0, d1) -> (0, 0)>
#map1 = affine_map<(d0, d1) -> (0, 0, 0)>
module attributes {stable_mosaic.version = 14 : i64} {
  func.func @_agg_sc(%arg0: i32, %arg1: i32, %arg2: memref<10240x128xf32, #tpu.memory_space<hbm>>, %arg3: memref<10240x128xf32, #tpu.memory_space<hbm>>, %arg4: memref<16x80x128xi32, #tpu.memory_space<hbm>>, %arg5: memref<16x80x128xi32, #tpu.memory_space<hbm>>, %arg6: memref<10240x128xf32, #tpu.memory_space<hbm>>, %arg7: memref<10240x128xf32, #tpu.memory_space<hbm>>, %arg8: memref<80x128xi32, #tpu.memory_space<vmem>>, %arg9: memref<80x128xi32, #tpu.memory_space<vmem>>, %arg10: memref<128x128xf32, #tpu.memory_space<vmem>>, %arg11: memref<10240x128xf32, #tpu.memory_space<vmem_shared>>, %arg12: memref<!tpu.dma_semaphore, #tpu.memory_space<semaphore_mem>>) attributes {dimension_semantics = [#tpu.dimension_semantics<core_parallel>, #tpu.dimension_semantics<subcore_parallel>], iteration_bounds = array<i64: 2, 16>, scalar_prefetch = 0 : i64, scratch_operands = 5 : i64, tpu.core_type = #tpu.core_type<sc_vector_subcore>, window_params = [{transform_indices = #map}, {transform_indices = #map}, {transform_indices = #map1}, {transform_indices = #map1}, {transform_indices = #map}, {transform_indices = #map}]} {
    %mul3A = arith.constant 640 : i32
    %mul3A_0 = arith.muli %arg1, %mul3A : i32
    "tpu.region"() ({
      %run_scoped3A = tpu.sem_alloc : memref<!tpu.dma_semaphore, #tpu.memory_space<semaphore_mem>>
      %dma_start3A = arith.constant 0 : i32
      %dma_start3A_8 = arith.constant 0 : i32
      %dma_start3A_9 = tpu.memref_slice %arg4[%arg1, %dma_start3A, %dma_start3A_8] : memref<16x80x128xi32, #tpu.memory_space<hbm>> -> memref<1x80x128xi32, #tpu.memory_space<hbm>>
      %dma_start3A_10 = tpu.memref_squeeze %dma_start3A_9 : memref<1x80x128xi32, #tpu.memory_space<hbm>> -> memref<80x128xi32, #tpu.memory_space<hbm>>
      %dma_start3A_11 = arith.constant 0 : i32
      %dma_start3A_12 = arith.constant 0 : i32
      %dma_start3A_13 = tpu.memref_slice %arg4[%arg1, %dma_start3A_11, %dma_start3A_12] : memref<16x80x128xi32, #tpu.memory_space<hbm>> -> memref<1x80x128xi32, #tpu.memory_space<hbm>>
      %dma_start3A_14 = tpu.memref_squeeze %dma_start3A_13 : memref<1x80x128xi32, #tpu.memory_space<hbm>> -> memref<80x128xi32, #tpu.memory_space<hbm>>
      tpu.enqueue_dma source(%dma_start3A_14 : memref<80x128xi32, #tpu.memory_space<hbm>>) target(%arg8 : memref<80x128xi32, #tpu.memory_space<vmem>>) target_semaphore(%run_scoped3A : memref<!tpu.dma_semaphore, #tpu.memory_space<semaphore_mem>>)
      %dma_wait3A = arith.constant 0 : i32
      %dma_wait3A_15 = arith.constant 0 : i32
      %dma_wait3A_16 = tpu.memref_slice %arg4[%arg1, %dma_wait3A, %dma_wait3A_15] : memref<16x80x128xi32, #tpu.memory_space<hbm>> -> memref<1x80x128xi32, #tpu.memory_space<hbm>>
      %dma_wait3A_17 = tpu.memref_squeeze %dma_wait3A_16 : memref<1x80x128xi32, #tpu.memory_space<hbm>> -> memref<80x128xi32, #tpu.memory_space<hbm>>
      %dma_wait3A_18 = arith.constant 0 : i32
      %dma_wait3A_19 = arith.constant 0 : i32
      %dma_wait3A_20 = tpu.memref_slice %arg4[%arg1, %dma_wait3A_18, %dma_wait3A_19] : memref<16x80x128xi32, #tpu.memory_space<hbm>> -> memref<1x80x128xi32, #tpu.memory_space<hbm>>
      %dma_wait3A_21 = tpu.memref_squeeze %dma_wait3A_20 : memref<1x80x128xi32, #tpu.memory_space<hbm>> -> memref<80x128xi32, #tpu.memory_space<hbm>>
      tpu.wait_dma2 semaphore(%run_scoped3A : memref<!tpu.dma_semaphore, #tpu.memory_space<semaphore_mem>>) src(%dma_wait3A_21 : memref<80x128xi32, #tpu.memory_space<hbm>>) dst(%arg8 : memref<80x128xi32, #tpu.memory_space<vmem>>)
      tpu.yield
    }) : () -> ()
    "tpu.region"() ({
      %run_scoped3A = tpu.sem_alloc : memref<!tpu.dma_semaphore, #tpu.memory_space<semaphore_mem>>
      %dma_start3A = arith.constant 0 : i32
      %dma_start3A_8 = arith.constant 0 : i32
      %dma_start3A_9 = tpu.memref_slice %arg5[%arg1, %dma_start3A, %dma_start3A_8] : memref<16x80x128xi32, #tpu.memory_space<hbm>> -> memref<1x80x128xi32, #tpu.memory_space<hbm>>
      %dma_start3A_10 = tpu.memref_squeeze %dma_start3A_9 : memref<1x80x128xi32, #tpu.memory_space<hbm>> -> memref<80x128xi32, #tpu.memory_space<hbm>>
      %dma_start3A_11 = arith.constant 0 : i32
      %dma_start3A_12 = arith.constant 0 : i32
      %dma_start3A_13 = tpu.memref_slice %arg5[%arg1, %dma_start3A_11, %dma_start3A_12] : memref<16x80x128xi32, #tpu.memory_space<hbm>> -> memref<1x80x128xi32, #tpu.memory_space<hbm>>
      %dma_start3A_14 = tpu.memref_squeeze %dma_start3A_13 : memref<1x80x128xi32, #tpu.memory_space<hbm>> -> memref<80x128xi32, #tpu.memory_space<hbm>>
      tpu.enqueue_dma source(%dma_start3A_14 : memref<80x128xi32, #tpu.memory_space<hbm>>) target(%arg9 : memref<80x128xi32, #tpu.memory_space<vmem>>) target_semaphore(%run_scoped3A : memref<!tpu.dma_semaphore, #tpu.memory_space<semaphore_mem>>)
      %dma_wait3A = arith.constant 0 : i32
      %dma_wait3A_15 = arith.constant 0 : i32
      %dma_wait3A_16 = tpu.memref_slice %arg5[%arg1, %dma_wait3A, %dma_wait3A_15] : memref<16x80x128xi32, #tpu.memory_space<hbm>> -> memref<1x80x128xi32, #tpu.memory_space<hbm>>
      %dma_wait3A_17 = tpu.memref_squeeze %dma_wait3A_16 : memref<1x80x128xi32, #tpu.memory_space<hbm>> -> memref<80x128xi32, #tpu.memory_space<hbm>>
      %dma_wait3A_18 = arith.constant 0 : i32
      %dma_wait3A_19 = arith.constant 0 : i32
      %dma_wait3A_20 = tpu.memref_slice %arg5[%arg1, %dma_wait3A_18, %dma_wait3A_19] : memref<16x80x128xi32, #tpu.memory_space<hbm>> -> memref<1x80x128xi32, #tpu.memory_space<hbm>>
      %dma_wait3A_21 = tpu.memref_squeeze %dma_wait3A_20 : memref<1x80x128xi32, #tpu.memory_space<hbm>> -> memref<80x128xi32, #tpu.memory_space<hbm>>
      tpu.wait_dma2 semaphore(%run_scoped3A : memref<!tpu.dma_semaphore, #tpu.memory_space<semaphore_mem>>) src(%dma_wait3A_21 : memref<80x128xi32, #tpu.memory_space<hbm>>) dst(%arg9 : memref<80x128xi32, #tpu.memory_space<vmem>>)
      tpu.yield
    }) : () -> ()
    %eq3A = arith.constant 0 : i32
    %eq3A_1 = arith.cmpi eq, %arg0, %eq3A : i32
    %convert_element_type3A = arith.extui %eq3A_1 : i1 to i32
    %cond3A = arith.constant 0 : i32
    %cond3A_2 = arith.cmpi ne, %convert_element_type3A, %cond3A : i32
    scf.if %cond3A_2 {
      "tpu.region"() ({
        %run_scoped3A = tpu.sem_alloc : memref<!tpu.dma_semaphore, #tpu.memory_space<semaphore_mem>>
        %dma_start3A = arith.constant 0 : i32
        %dma_start3A_14 = tpu.memref_slice %arg11[%mul3A_0, %dma_start3A] : memref<10240x128xf32, #tpu.memory_space<vmem_shared>> -> memref<640x128xf32, #tpu.memory_space<vmem_shared>>
        %dma_start3A_15 = arith.constant 0 : i32
        %dma_start3A_16 = tpu.memref_slice %arg2[%mul3A_0, %dma_start3A_15] : memref<10240x128xf32, #tpu.memory_space<hbm>> -> memref<640x128xf32, #tpu.memory_space<hbm>>
        tpu.enqueue_dma source(%dma_start3A_16 : memref<640x128xf32, #tpu.memory_space<hbm>>) target(%dma_start3A_14 : memref<640x128xf32, #tpu.memory_space<vmem_shared>>) target_semaphore(%run_scoped3A : memref<!tpu.dma_semaphore, #tpu.memory_space<semaphore_mem>>)
        %dma_wait3A = arith.constant 0 : i32
        %dma_wait3A_17 = tpu.memref_slice %arg11[%mul3A_0, %dma_wait3A] : memref<10240x128xf32, #tpu.memory_space<vmem_shared>> -> memref<640x128xf32, #tpu.memory_space<vmem_shared>>
        %dma_wait3A_18 = arith.constant 0 : i32
        %dma_wait3A_19 = tpu.memref_slice %arg2[%mul3A_0, %dma_wait3A_18] : memref<10240x128xf32, #tpu.memory_space<hbm>> -> memref<640x128xf32, #tpu.memory_space<hbm>>
        tpu.wait_dma2 semaphore(%run_scoped3A : memref<!tpu.dma_semaphore, #tpu.memory_space<semaphore_mem>>) src(%dma_wait3A_19 : memref<640x128xf32, #tpu.memory_space<hbm>>) dst(%dma_wait3A_17 : memref<640x128xf32, #tpu.memory_space<vmem_shared>>)
        tpu.yield
      }) : () -> ()
      %barrier3A = arith.constant 0 : index
      tpu.barrier barrier_id(%barrier3A)
      %scan3A = arith.constant 0 : i32
      %scan3A_8 = arith.constant 0 : i32
      %scan3A_9 = arith.constant 80 : i32
      %scan3A_10 = arith.addi %scan3A_8, %scan3A_9 : i32
      %scan3A_11 = arith.constant 1 : i32
      scf.for %scan3A_14 = %scan3A_8 to %scan3A_10 step %scan3A_11  : i32 {
        %dma_start3A = arith.constant 0 : i32
        %dma_start3A_15 = tpu.memref_slice %arg8[%scan3A_14, %dma_start3A] : memref<80x128xi32, #tpu.memory_space<vmem>> -> memref<1x128xi32, #tpu.memory_space<vmem>>
        %dma_start3A_16 = tpu.memref_squeeze %dma_start3A_15 : memref<1x128xi32, #tpu.memory_space<vmem>> -> memref<128xi32, #tpu.memory_space<vmem>>
        %dma_start3A_17 = arith.constant 0 : i32
        %dma_start3A_18 = arith.constant 0 : i32
        %dma_start3A_19 = tpu.memref_slice %arg2[%dma_start3A_17, %dma_start3A_18] : memref<10240x128xf32, #tpu.memory_space<hbm>> -> memref<10240x128xf32, #tpu.memory_space<hbm>>
        tpu.enqueue_indirect_dma source(%dma_start3A_19 : memref<10240x128xf32, #tpu.memory_space<hbm>>) target(%arg10 : memref<128x128xf32, #tpu.memory_space<vmem>>) offsets(%dma_start3A_16 : memref<128xi32, #tpu.memory_space<vmem>>) semaphore(%arg12 : memref<!tpu.dma_semaphore, #tpu.memory_space<semaphore_mem>>)
        %dma_wait3A = arith.constant 0 : i32
        %dma_wait3A_20 = tpu.memref_slice %arg8[%scan3A_14, %dma_wait3A] : memref<80x128xi32, #tpu.memory_space<vmem>> -> memref<1x128xi32, #tpu.memory_space<vmem>>
        %dma_wait3A_21 = tpu.memref_squeeze %dma_wait3A_20 : memref<1x128xi32, #tpu.memory_space<vmem>> -> memref<128xi32, #tpu.memory_space<vmem>>
        %dma_wait3A_22 = arith.constant 0 : i32
        %dma_wait3A_23 = arith.constant 0 : i32
        %dma_wait3A_24 = tpu.memref_slice %arg2[%dma_wait3A_22, %dma_wait3A_23] : memref<10240x128xf32, #tpu.memory_space<hbm>> -> memref<10240x128xf32, #tpu.memory_space<hbm>>
        tpu.wait_indirect_dma semaphore(%arg12 : memref<!tpu.dma_semaphore, #tpu.memory_space<semaphore_mem>>) src(%dma_wait3A_24 : memref<10240x128xf32, #tpu.memory_space<hbm>>) dst(%arg10 : memref<128x128xf32, #tpu.memory_space<vmem>>)
        "tpu.region"() ({
          %run_scoped3A = tpu.sem_alloc : memref<!tpu.dma_semaphore, #tpu.memory_space<semaphore_mem>>
          %dma_start3A_25 = arith.constant 0 : i32
          %dma_start3A_26 = tpu.memref_slice %arg9[%scan3A_14, %dma_start3A_25] : memref<80x128xi32, #tpu.memory_space<vmem>> -> memref<1x128xi32, #tpu.memory_space<vmem>>
          %dma_start3A_27 = tpu.memref_squeeze %dma_start3A_26 : memref<1x128xi32, #tpu.memory_space<vmem>> -> memref<128xi32, #tpu.memory_space<vmem>>
          %dma_start3A_28 = arith.constant 0 : i32
          %dma_start3A_29 = arith.constant 0 : i32
          %dma_start3A_30 = tpu.memref_slice %arg11[%dma_start3A_28, %dma_start3A_29] : memref<10240x128xf32, #tpu.memory_space<vmem_shared>> -> memref<10240x128xf32, #tpu.memory_space<vmem_shared>>
          tpu.enqueue_indirect_dma source(%arg10 : memref<128x128xf32, #tpu.memory_space<vmem>>) target(%dma_start3A_30 : memref<10240x128xf32, #tpu.memory_space<vmem_shared>>) offsets(%dma_start3A_27 : memref<128xi32, #tpu.memory_space<vmem>>) semaphore(%run_scoped3A : memref<!tpu.dma_semaphore, #tpu.memory_space<semaphore_mem>>) {add = true}
          %dma_wait3A_31 = arith.constant 0 : i32
          %dma_wait3A_32 = tpu.memref_slice %arg9[%scan3A_14, %dma_wait3A_31] : memref<80x128xi32, #tpu.memory_space<vmem>> -> memref<1x128xi32, #tpu.memory_space<vmem>>
          %dma_wait3A_33 = tpu.memref_squeeze %dma_wait3A_32 : memref<1x128xi32, #tpu.memory_space<vmem>> -> memref<128xi32, #tpu.memory_space<vmem>>
          %dma_wait3A_34 = arith.constant 0 : i32
          %dma_wait3A_35 = arith.constant 0 : i32
          %dma_wait3A_36 = tpu.memref_slice %arg11[%dma_wait3A_34, %dma_wait3A_35] : memref<10240x128xf32, #tpu.memory_space<vmem_shared>> -> memref<10240x128xf32, #tpu.memory_space<vmem_shared>>
          tpu.wait_indirect_dma semaphore(%run_scoped3A : memref<!tpu.dma_semaphore, #tpu.memory_space<semaphore_mem>>) src(%arg10 : memref<128x128xf32, #tpu.memory_space<vmem>>) dst(%dma_wait3A_36 : memref<10240x128xf32, #tpu.memory_space<vmem_shared>>)
          tpu.yield
        }) : () -> ()
      }
      %scan3A_12 = arith.constant 80 : i32
      %barrier3A_13 = arith.constant 0 : index
      tpu.barrier barrier_id(%barrier3A_13)
      "tpu.region"() ({
        %run_scoped3A = tpu.sem_alloc : memref<!tpu.dma_semaphore, #tpu.memory_space<semaphore_mem>>
        %dma_start3A = arith.constant 0 : i32
        %dma_start3A_14 = tpu.memref_slice %arg6[%mul3A_0, %dma_start3A] : memref<10240x128xf32, #tpu.memory_space<hbm>> -> memref<640x128xf32, #tpu.memory_space<hbm>>
        %dma_start3A_15 = arith.constant 0 : i32
        %dma_start3A_16 = tpu.memref_slice %arg11[%mul3A_0, %dma_start3A_15] : memref<10240x128xf32, #tpu.memory_space<vmem_shared>> -> memref<640x128xf32, #tpu.memory_space<vmem_shared>>
        tpu.enqueue_dma source(%dma_start3A_16 : memref<640x128xf32, #tpu.memory_space<vmem_shared>>) target(%dma_start3A_14 : memref<640x128xf32, #tpu.memory_space<hbm>>) target_semaphore(%run_scoped3A : memref<!tpu.dma_semaphore, #tpu.memory_space<semaphore_mem>>)
        %dma_wait3A = arith.constant 0 : i32
        %dma_wait3A_17 = tpu.memref_slice %arg6[%mul3A_0, %dma_wait3A] : memref<10240x128xf32, #tpu.memory_space<hbm>> -> memref<640x128xf32, #tpu.memory_space<hbm>>
        %dma_wait3A_18 = arith.constant 0 : i32
        %dma_wait3A_19 = tpu.memref_slice %arg11[%mul3A_0, %dma_wait3A_18] : memref<10240x128xf32, #tpu.memory_space<vmem_shared>> -> memref<640x128xf32, #tpu.memory_space<vmem_shared>>
        tpu.wait_dma2 semaphore(%run_scoped3A : memref<!tpu.dma_semaphore, #tpu.memory_space<semaphore_mem>>) src(%dma_wait3A_19 : memref<640x128xf32, #tpu.memory_space<vmem_shared>>) dst(%dma_wait3A_17 : memref<640x128xf32, #tpu.memory_space<hbm>>)
        tpu.yield
      }) : () -> ()
    } else {
    }
    %eq3A_3 = arith.constant 1 : i32
    %eq3A_4 = arith.cmpi eq, %arg0, %eq3A_3 : i32
    %convert_element_type3A_5 = arith.extui %eq3A_4 : i1 to i32
    %cond3A_6 = arith.constant 0 : i32
    %cond3A_7 = arith.cmpi ne, %convert_element_type3A_5, %cond3A_6 : i32
    scf.if %cond3A_7 {
      "tpu.region"() ({
        %run_scoped3A = tpu.sem_alloc : memref<!tpu.dma_semaphore, #tpu.memory_space<semaphore_mem>>
        %dma_start3A = arith.constant 0 : i32
        %dma_start3A_14 = tpu.memref_slice %arg11[%mul3A_0, %dma_start3A] : memref<10240x128xf32, #tpu.memory_space<vmem_shared>> -> memref<640x128xf32, #tpu.memory_space<vmem_shared>>
        %dma_start3A_15 = arith.constant 0 : i32
        %dma_start3A_16 = tpu.memref_slice %arg3[%mul3A_0, %dma_start3A_15] : memref<10240x128xf32, #tpu.memory_space<hbm>> -> memref<640x128xf32, #tpu.memory_space<hbm>>
        tpu.enqueue_dma source(%dma_start3A_16 : memref<640x128xf32, #tpu.memory_space<hbm>>) target(%dma_start3A_14 : memref<640x128xf32, #tpu.memory_space<vmem_shared>>) target_semaphore(%run_scoped3A : memref<!tpu.dma_semaphore, #tpu.memory_space<semaphore_mem>>)
        %dma_wait3A = arith.constant 0 : i32
        %dma_wait3A_17 = tpu.memref_slice %arg11[%mul3A_0, %dma_wait3A] : memref<10240x128xf32, #tpu.memory_space<vmem_shared>> -> memref<640x128xf32, #tpu.memory_space<vmem_shared>>
        %dma_wait3A_18 = arith.constant 0 : i32
        %dma_wait3A_19 = tpu.memref_slice %arg3[%mul3A_0, %dma_wait3A_18] : memref<10240x128xf32, #tpu.memory_space<hbm>> -> memref<640x128xf32, #tpu.memory_space<hbm>>
        tpu.wait_dma2 semaphore(%run_scoped3A : memref<!tpu.dma_semaphore, #tpu.memory_space<semaphore_mem>>) src(%dma_wait3A_19 : memref<640x128xf32, #tpu.memory_space<hbm>>) dst(%dma_wait3A_17 : memref<640x128xf32, #tpu.memory_space<vmem_shared>>)
        tpu.yield
      }) : () -> ()
      %barrier3A = arith.constant 0 : index
      tpu.barrier barrier_id(%barrier3A)
      %scan3A = arith.constant 0 : i32
      %scan3A_8 = arith.constant 0 : i32
      %scan3A_9 = arith.constant 80 : i32
      %scan3A_10 = arith.addi %scan3A_8, %scan3A_9 : i32
      %scan3A_11 = arith.constant 1 : i32
      scf.for %scan3A_14 = %scan3A_8 to %scan3A_10 step %scan3A_11  : i32 {
        %dma_start3A = arith.constant 0 : i32
        %dma_start3A_15 = tpu.memref_slice %arg8[%scan3A_14, %dma_start3A] : memref<80x128xi32, #tpu.memory_space<vmem>> -> memref<1x128xi32, #tpu.memory_space<vmem>>
        %dma_start3A_16 = tpu.memref_squeeze %dma_start3A_15 : memref<1x128xi32, #tpu.memory_space<vmem>> -> memref<128xi32, #tpu.memory_space<vmem>>
        %dma_start3A_17 = arith.constant 0 : i32
        %dma_start3A_18 = arith.constant 0 : i32
        %dma_start3A_19 = tpu.memref_slice %arg3[%dma_start3A_17, %dma_start3A_18] : memref<10240x128xf32, #tpu.memory_space<hbm>> -> memref<10240x128xf32, #tpu.memory_space<hbm>>
        tpu.enqueue_indirect_dma source(%dma_start3A_19 : memref<10240x128xf32, #tpu.memory_space<hbm>>) target(%arg10 : memref<128x128xf32, #tpu.memory_space<vmem>>) offsets(%dma_start3A_16 : memref<128xi32, #tpu.memory_space<vmem>>) semaphore(%arg12 : memref<!tpu.dma_semaphore, #tpu.memory_space<semaphore_mem>>)
        %dma_wait3A = arith.constant 0 : i32
        %dma_wait3A_20 = tpu.memref_slice %arg8[%scan3A_14, %dma_wait3A] : memref<80x128xi32, #tpu.memory_space<vmem>> -> memref<1x128xi32, #tpu.memory_space<vmem>>
        %dma_wait3A_21 = tpu.memref_squeeze %dma_wait3A_20 : memref<1x128xi32, #tpu.memory_space<vmem>> -> memref<128xi32, #tpu.memory_space<vmem>>
        %dma_wait3A_22 = arith.constant 0 : i32
        %dma_wait3A_23 = arith.constant 0 : i32
        %dma_wait3A_24 = tpu.memref_slice %arg3[%dma_wait3A_22, %dma_wait3A_23] : memref<10240x128xf32, #tpu.memory_space<hbm>> -> memref<10240x128xf32, #tpu.memory_space<hbm>>
        tpu.wait_indirect_dma semaphore(%arg12 : memref<!tpu.dma_semaphore, #tpu.memory_space<semaphore_mem>>) src(%dma_wait3A_24 : memref<10240x128xf32, #tpu.memory_space<hbm>>) dst(%arg10 : memref<128x128xf32, #tpu.memory_space<vmem>>)
        "tpu.region"() ({
          %run_scoped3A = tpu.sem_alloc : memref<!tpu.dma_semaphore, #tpu.memory_space<semaphore_mem>>
          %dma_start3A_25 = arith.constant 0 : i32
          %dma_start3A_26 = tpu.memref_slice %arg9[%scan3A_14, %dma_start3A_25] : memref<80x128xi32, #tpu.memory_space<vmem>> -> memref<1x128xi32, #tpu.memory_space<vmem>>
          %dma_start3A_27 = tpu.memref_squeeze %dma_start3A_26 : memref<1x128xi32, #tpu.memory_space<vmem>> -> memref<128xi32, #tpu.memory_space<vmem>>
          %dma_start3A_28 = arith.constant 0 : i32
          %dma_start3A_29 = arith.constant 0 : i32
          %dma_start3A_30 = tpu.memref_slice %arg11[%dma_start3A_28, %dma_start3A_29] : memref<10240x128xf32, #tpu.memory_space<vmem_shared>> -> memref<10240x128xf32, #tpu.memory_space<vmem_shared>>
          tpu.enqueue_indirect_dma source(%arg10 : memref<128x128xf32, #tpu.memory_space<vmem>>) target(%dma_start3A_30 : memref<10240x128xf32, #tpu.memory_space<vmem_shared>>) offsets(%dma_start3A_27 : memref<128xi32, #tpu.memory_space<vmem>>) semaphore(%run_scoped3A : memref<!tpu.dma_semaphore, #tpu.memory_space<semaphore_mem>>) {add = true}
          %dma_wait3A_31 = arith.constant 0 : i32
          %dma_wait3A_32 = tpu.memref_slice %arg9[%scan3A_14, %dma_wait3A_31] : memref<80x128xi32, #tpu.memory_space<vmem>> -> memref<1x128xi32, #tpu.memory_space<vmem>>
          %dma_wait3A_33 = tpu.memref_squeeze %dma_wait3A_32 : memref<1x128xi32, #tpu.memory_space<vmem>> -> memref<128xi32, #tpu.memory_space<vmem>>
          %dma_wait3A_34 = arith.constant 0 : i32
          %dma_wait3A_35 = arith.constant 0 : i32
          %dma_wait3A_36 = tpu.memref_slice %arg11[%dma_wait3A_34, %dma_wait3A_35] : memref<10240x128xf32, #tpu.memory_space<vmem_shared>> -> memref<10240x128xf32, #tpu.memory_space<vmem_shared>>
          tpu.wait_indirect_dma semaphore(%run_scoped3A : memref<!tpu.dma_semaphore, #tpu.memory_space<semaphore_mem>>) src(%arg10 : memref<128x128xf32, #tpu.memory_space<vmem>>) dst(%dma_wait3A_36 : memref<10240x128xf32, #tpu.memory_space<vmem_shared>>)
          tpu.yield
        }) : () -> ()
      }
      %scan3A_12 = arith.constant 80 : i32
      %barrier3A_13 = arith.constant 0 : index
      tpu.barrier barrier_id(%barrier3A_13)
      "tpu.region"() ({
        %run_scoped3A = tpu.sem_alloc : memref<!tpu.dma_semaphore, #tpu.memory_space<semaphore_mem>>
        %dma_start3A = arith.constant 0 : i32
        %dma_start3A_14 = tpu.memref_slice %arg7[%mul3A_0, %dma_start3A] : memref<10240x128xf32, #tpu.memory_space<hbm>> -> memref<640x128xf32, #tpu.memory_space<hbm>>
        %dma_start3A_15 = arith.constant 0 : i32
        %dma_start3A_16 = tpu.memref_slice %arg11[%mul3A_0, %dma_start3A_15] : memref<10240x128xf32, #tpu.memory_space<vmem_shared>> -> memref<640x128xf32, #tpu.memory_space<vmem_shared>>
        tpu.enqueue_dma source(%dma_start3A_16 : memref<640x128xf32, #tpu.memory_space<vmem_shared>>) target(%dma_start3A_14 : memref<640x128xf32, #tpu.memory_space<hbm>>) target_semaphore(%run_scoped3A : memref<!tpu.dma_semaphore, #tpu.memory_space<semaphore_mem>>)
        %dma_wait3A = arith.constant 0 : i32
        %dma_wait3A_17 = tpu.memref_slice %arg7[%mul3A_0, %dma_wait3A] : memref<10240x128xf32, #tpu.memory_space<hbm>> -> memref<640x128xf32, #tpu.memory_space<hbm>>
        %dma_wait3A_18 = arith.constant 0 : i32
        %dma_wait3A_19 = tpu.memref_slice %arg11[%mul3A_0, %dma_wait3A_18] : memref<10240x128xf32, #tpu.memory_space<vmem_shared>> -> memref<640x128xf32, #tpu.memory_space<vmem_shared>>
        tpu.wait_dma2 semaphore(%run_scoped3A : memref<!tpu.dma_semaphore, #tpu.memory_space<semaphore_mem>>) src(%dma_wait3A_19 : memref<640x128xf32, #tpu.memory_space<vmem_shared>>) dst(%dma_wait3A_17 : memref<640x128xf32, #tpu.memory_space<hbm>>)
        tpu.yield
      }) : () -> ()
    } else {
    }
    return
  }
}

#map = affine_map<(d0, d1) -> (0, 0)>
#map1 = affine_map<(d0, d1) -> (0, 0, 0)>
module attributes {stable_mosaic.version = 14 : i64} {
  func.func @_agg_sc(%arg0: i32, %arg1: i32, %arg2: memref<10240x128xf32, #tpu.memory_space<hbm>>, %arg3: memref<10240x128xf32, #tpu.memory_space<hbm>>, %arg4: memref<16x80x128xi32, #tpu.memory_space<hbm>>, %arg5: memref<16x80x128xi32, #tpu.memory_space<hbm>>, %arg6: memref<10240x128xf32, #tpu.memory_space<hbm>>, %arg7: memref<10240x128xf32, #tpu.memory_space<hbm>>, %arg8: memref<80x128xi32, #tpu.memory_space<vmem>>, %arg9: memref<80x128xi32, #tpu.memory_space<vmem>>, %arg10: memref<128x128xf32, #tpu.memory_space<vmem>>, %arg11: memref<10240x128xf32, #tpu.memory_space<vmem_shared>>, %arg12: memref<!tpu.dma_semaphore, #tpu.memory_space<semaphore_mem>>) attributes {dimension_semantics = [#tpu.dimension_semantics<core_parallel>, #tpu.dimension_semantics<subcore_parallel>], iteration_bounds = array<i64: 2, 16>, scalar_prefetch = 0 : i64, scratch_operands = 5 : i64, tpu.core_type = #tpu.core_type<sc_vector_subcore>, window_params = [{transform_indices = #map}, {transform_indices = #map}, {transform_indices = #map1}, {transform_indices = #map1}, {transform_indices = #map}, {transform_indices = #map}]} {
    %mul3A = arith.constant 640 : i32
    %mul3A_0 = arith.muli %arg1, %mul3A : i32
    "tpu.region"() ({
      %run_scoped3A = tpu.sem_alloc : memref<!tpu.dma_semaphore, #tpu.memory_space<semaphore_mem>>
      %dma_start3A = arith.constant 0 : i32
      %dma_start3A_8 = arith.constant 0 : i32
      %dma_start3A_9 = tpu.memref_slice %arg4[%arg1, %dma_start3A, %dma_start3A_8] : memref<16x80x128xi32, #tpu.memory_space<hbm>> -> memref<1x80x128xi32, #tpu.memory_space<hbm>>
      %dma_start3A_10 = tpu.memref_squeeze %dma_start3A_9 : memref<1x80x128xi32, #tpu.memory_space<hbm>> -> memref<80x128xi32, #tpu.memory_space<hbm>>
      %dma_start3A_11 = arith.constant 0 : i32
      %dma_start3A_12 = arith.constant 0 : i32
      %dma_start3A_13 = tpu.memref_slice %arg4[%arg1, %dma_start3A_11, %dma_start3A_12] : memref<16x80x128xi32, #tpu.memory_space<hbm>> -> memref<1x80x128xi32, #tpu.memory_space<hbm>>
      %dma_start3A_14 = tpu.memref_squeeze %dma_start3A_13 : memref<1x80x128xi32, #tpu.memory_space<hbm>> -> memref<80x128xi32, #tpu.memory_space<hbm>>
      tpu.enqueue_dma source(%dma_start3A_14 : memref<80x128xi32, #tpu.memory_space<hbm>>) target(%arg8 : memref<80x128xi32, #tpu.memory_space<vmem>>) target_semaphore(%run_scoped3A : memref<!tpu.dma_semaphore, #tpu.memory_space<semaphore_mem>>)
      %dma_wait3A = arith.constant 0 : i32
      %dma_wait3A_15 = arith.constant 0 : i32
      %dma_wait3A_16 = tpu.memref_slice %arg4[%arg1, %dma_wait3A, %dma_wait3A_15] : memref<16x80x128xi32, #tpu.memory_space<hbm>> -> memref<1x80x128xi32, #tpu.memory_space<hbm>>
      %dma_wait3A_17 = tpu.memref_squeeze %dma_wait3A_16 : memref<1x80x128xi32, #tpu.memory_space<hbm>> -> memref<80x128xi32, #tpu.memory_space<hbm>>
      %dma_wait3A_18 = arith.constant 0 : i32
      %dma_wait3A_19 = arith.constant 0 : i32
      %dma_wait3A_20 = tpu.memref_slice %arg4[%arg1, %dma_wait3A_18, %dma_wait3A_19] : memref<16x80x128xi32, #tpu.memory_space<hbm>> -> memref<1x80x128xi32, #tpu.memory_space<hbm>>
      %dma_wait3A_21 = tpu.memref_squeeze %dma_wait3A_20 : memref<1x80x128xi32, #tpu.memory_space<hbm>> -> memref<80x128xi32, #tpu.memory_space<hbm>>
      tpu.wait_dma2 semaphore(%run_scoped3A : memref<!tpu.dma_semaphore, #tpu.memory_space<semaphore_mem>>) src(%dma_wait3A_21 : memref<80x128xi32, #tpu.memory_space<hbm>>) dst(%arg8 : memref<80x128xi32, #tpu.memory_space<vmem>>)
      tpu.yield
    }) : () -> ()
    "tpu.region"() ({
      %run_scoped3A = tpu.sem_alloc : memref<!tpu.dma_semaphore, #tpu.memory_space<semaphore_mem>>
      %dma_start3A = arith.constant 0 : i32
      %dma_start3A_8 = arith.constant 0 : i32
      %dma_start3A_9 = tpu.memref_slice %arg5[%arg1, %dma_start3A, %dma_start3A_8] : memref<16x80x128xi32, #tpu.memory_space<hbm>> -> memref<1x80x128xi32, #tpu.memory_space<hbm>>
      %dma_start3A_10 = tpu.memref_squeeze %dma_start3A_9 : memref<1x80x128xi32, #tpu.memory_space<hbm>> -> memref<80x128xi32, #tpu.memory_space<hbm>>
      %dma_start3A_11 = arith.constant 0 : i32
      %dma_start3A_12 = arith.constant 0 : i32
      %dma_start3A_13 = tpu.memref_slice %arg5[%arg1, %dma_start3A_11, %dma_start3A_12] : memref<16x80x128xi32, #tpu.memory_space<hbm>> -> memref<1x80x128xi32, #tpu.memory_space<hbm>>
      %dma_start3A_14 = tpu.memref_squeeze %dma_start3A_13 : memref<1x80x128xi32, #tpu.memory_space<hbm>> -> memref<80x128xi32, #tpu.memory_space<hbm>>
      tpu.enqueue_dma source(%dma_start3A_14 : memref<80x128xi32, #tpu.memory_space<hbm>>) target(%arg9 : memref<80x128xi32, #tpu.memory_space<vmem>>) target_semaphore(%run_scoped3A : memref<!tpu.dma_semaphore, #tpu.memory_space<semaphore_mem>>)
      %dma_wait3A = arith.constant 0 : i32
      %dma_wait3A_15 = arith.constant 0 : i32
      %dma_wait3A_16 = tpu.memref_slice %arg5[%arg1, %dma_wait3A, %dma_wait3A_15] : memref<16x80x128xi32, #tpu.memory_space<hbm>> -> memref<1x80x128xi32, #tpu.memory_space<hbm>>
      %dma_wait3A_17 = tpu.memref_squeeze %dma_wait3A_16 : memref<1x80x128xi32, #tpu.memory_space<hbm>> -> memref<80x128xi32, #tpu.memory_space<hbm>>
      %dma_wait3A_18 = arith.constant 0 : i32
      %dma_wait3A_19 = arith.constant 0 : i32
      %dma_wait3A_20 = tpu.memref_slice %arg5[%arg1, %dma_wait3A_18, %dma_wait3A_19] : memref<16x80x128xi32, #tpu.memory_space<hbm>> -> memref<1x80x128xi32, #tpu.memory_space<hbm>>
      %dma_wait3A_21 = tpu.memref_squeeze %dma_wait3A_20 : memref<1x80x128xi32, #tpu.memory_space<hbm>> -> memref<80x128xi32, #tpu.memory_space<hbm>>
      tpu.wait_dma2 semaphore(%run_scoped3A : memref<!tpu.dma_semaphore, #tpu.memory_space<semaphore_mem>>) src(%dma_wait3A_21 : memref<80x128xi32, #tpu.memory_space<hbm>>) dst(%arg9 : memref<80x128xi32, #tpu.memory_space<vmem>>)
      tpu.yield
    }) : () -> ()
    %eq3A = arith.constant 0 : i32
    %eq3A_1 = arith.cmpi eq, %arg0, %eq3A : i32
    %convert_element_type3A = arith.extui %eq3A_1 : i1 to i32
    %cond3A = arith.constant 0 : i32
    %cond3A_2 = arith.cmpi ne, %convert_element_type3A, %cond3A : i32
    scf.if %cond3A_2 {
      "tpu.region"() ({
        %run_scoped3A = tpu.sem_alloc : memref<!tpu.dma_semaphore, #tpu.memory_space<semaphore_mem>>
        %dma_start3A = arith.constant 0 : i32
        %dma_start3A_14 = tpu.memref_slice %arg11[%mul3A_0, %dma_start3A] : memref<10240x128xf32, #tpu.memory_space<vmem_shared>> -> memref<640x128xf32, #tpu.memory_space<vmem_shared>>
        %dma_start3A_15 = arith.constant 0 : i32
        %dma_start3A_16 = tpu.memref_slice %arg2[%mul3A_0, %dma_start3A_15] : memref<10240x128xf32, #tpu.memory_space<hbm>> -> memref<640x128xf32, #tpu.memory_space<hbm>>
        tpu.enqueue_dma source(%dma_start3A_16 : memref<640x128xf32, #tpu.memory_space<hbm>>) target(%dma_start3A_14 : memref<640x128xf32, #tpu.memory_space<vmem_shared>>) target_semaphore(%run_scoped3A : memref<!tpu.dma_semaphore, #tpu.memory_space<semaphore_mem>>)
        %dma_wait3A = arith.constant 0 : i32
        %dma_wait3A_17 = tpu.memref_slice %arg11[%mul3A_0, %dma_wait3A] : memref<10240x128xf32, #tpu.memory_space<vmem_shared>> -> memref<640x128xf32, #tpu.memory_space<vmem_shared>>
        %dma_wait3A_18 = arith.constant 0 : i32
        %dma_wait3A_19 = tpu.memref_slice %arg2[%mul3A_0, %dma_wait3A_18] : memref<10240x128xf32, #tpu.memory_space<hbm>> -> memref<640x128xf32, #tpu.memory_space<hbm>>
        tpu.wait_dma2 semaphore(%run_scoped3A : memref<!tpu.dma_semaphore, #tpu.memory_space<semaphore_mem>>) src(%dma_wait3A_19 : memref<640x128xf32, #tpu.memory_space<hbm>>) dst(%dma_wait3A_17 : memref<640x128xf32, #tpu.memory_space<vmem_shared>>)
        tpu.yield
      }) : () -> ()
      %barrier3A = arith.constant 0 : index
      tpu.barrier barrier_id(%barrier3A)
      %scan3A = arith.constant 0 : i32
      %scan3A_8 = arith.constant 0 : i32
      %scan3A_9 = arith.constant 80 : i32
      %scan3A_10 = arith.addi %scan3A_8, %scan3A_9 : i32
      %scan3A_11 = arith.constant 1 : i32
      scf.for %scan3A_14 = %scan3A_8 to %scan3A_10 step %scan3A_11  : i32 {
        %dma_start3A = arith.constant 0 : i32
        %dma_start3A_15 = tpu.memref_slice %arg8[%scan3A_14, %dma_start3A] : memref<80x128xi32, #tpu.memory_space<vmem>> -> memref<1x128xi32, #tpu.memory_space<vmem>>
        %dma_start3A_16 = tpu.memref_squeeze %dma_start3A_15 : memref<1x128xi32, #tpu.memory_space<vmem>> -> memref<128xi32, #tpu.memory_space<vmem>>
        %dma_start3A_17 = arith.constant 0 : i32
        %dma_start3A_18 = arith.constant 0 : i32
        %dma_start3A_19 = tpu.memref_slice %arg2[%dma_start3A_17, %dma_start3A_18] : memref<10240x128xf32, #tpu.memory_space<hbm>> -> memref<10240x128xf32, #tpu.memory_space<hbm>>
        tpu.enqueue_indirect_dma source(%dma_start3A_19 : memref<10240x128xf32, #tpu.memory_space<hbm>>) target(%arg10 : memref<128x128xf32, #tpu.memory_space<vmem>>) offsets(%dma_start3A_16 : memref<128xi32, #tpu.memory_space<vmem>>) semaphore(%arg12 : memref<!tpu.dma_semaphore, #tpu.memory_space<semaphore_mem>>)
        %dma_wait3A = arith.constant 0 : i32
        %dma_wait3A_20 = tpu.memref_slice %arg8[%scan3A_14, %dma_wait3A] : memref<80x128xi32, #tpu.memory_space<vmem>> -> memref<1x128xi32, #tpu.memory_space<vmem>>
        %dma_wait3A_21 = tpu.memref_squeeze %dma_wait3A_20 : memref<1x128xi32, #tpu.memory_space<vmem>> -> memref<128xi32, #tpu.memory_space<vmem>>
        %dma_wait3A_22 = arith.constant 0 : i32
        %dma_wait3A_23 = arith.constant 0 : i32
        %dma_wait3A_24 = tpu.memref_slice %arg2[%dma_wait3A_22, %dma_wait3A_23] : memref<10240x128xf32, #tpu.memory_space<hbm>> -> memref<10240x128xf32, #tpu.memory_space<hbm>>
        tpu.wait_indirect_dma semaphore(%arg12 : memref<!tpu.dma_semaphore, #tpu.memory_space<semaphore_mem>>) src(%dma_wait3A_24 : memref<10240x128xf32, #tpu.memory_space<hbm>>) dst(%arg10 : memref<128x128xf32, #tpu.memory_space<vmem>>)
        "tpu.region"() ({
          %run_scoped3A = tpu.sem_alloc : memref<!tpu.dma_semaphore, #tpu.memory_space<semaphore_mem>>
          %dma_start3A_25 = arith.constant 0 : i32
          %dma_start3A_26 = tpu.memref_slice %arg9[%scan3A_14, %dma_start3A_25] : memref<80x128xi32, #tpu.memory_space<vmem>> -> memref<1x128xi32, #tpu.memory_space<vmem>>
          %dma_start3A_27 = tpu.memref_squeeze %dma_start3A_26 : memref<1x128xi32, #tpu.memory_space<vmem>> -> memref<128xi32, #tpu.memory_space<vmem>>
          %dma_start3A_28 = arith.constant 0 : i32
          %dma_start3A_29 = arith.constant 0 : i32
          %dma_start3A_30 = tpu.memref_slice %arg11[%dma_start3A_28, %dma_start3A_29] : memref<10240x128xf32, #tpu.memory_space<vmem_shared>> -> memref<10240x128xf32, #tpu.memory_space<vmem_shared>>
          tpu.enqueue_indirect_dma source(%arg10 : memref<128x128xf32, #tpu.memory_space<vmem>>) target(%dma_start3A_30 : memref<10240x128xf32, #tpu.memory_space<vmem_shared>>) offsets(%dma_start3A_27 : memref<128xi32, #tpu.memory_space<vmem>>) semaphore(%run_scoped3A : memref<!tpu.dma_semaphore, #tpu.memory_space<semaphore_mem>>) {add = true}
          %dma_wait3A_31 = arith.constant 0 : i32
          %dma_wait3A_32 = tpu.memref_slice %arg9[%scan3A_14, %dma_wait3A_31] : memref<80x128xi32, #tpu.memory_space<vmem>> -> memref<1x128xi32, #tpu.memory_space<vmem>>
          %dma_wait3A_33 = tpu.memref_squeeze %dma_wait3A_32 : memref<1x128xi32, #tpu.memory_space<vmem>> -> memref<128xi32, #tpu.memory_space<vmem>>
          %dma_wait3A_34 = arith.constant 0 : i32
          %dma_wait3A_35 = arith.constant 0 : i32
          %dma_wait3A_36 = tpu.memref_slice %arg11[%dma_wait3A_34, %dma_wait3A_35] : memref<10240x128xf32, #tpu.memory_space<vmem_shared>> -> memref<10240x128xf32, #tpu.memory_space<vmem_shared>>
          tpu.wait_indirect_dma semaphore(%run_scoped3A : memref<!tpu.dma_semaphore, #tpu.memory_space<semaphore_mem>>) src(%arg10 : memref<128x128xf32, #tpu.memory_space<vmem>>) dst(%dma_wait3A_36 : memref<10240x128xf32, #tpu.memory_space<vmem_shared>>)
          tpu.yield
        }) : () -> ()
      }
      %scan3A_12 = arith.constant 80 : i32
      %barrier3A_13 = arith.constant 0 : index
      tpu.barrier barrier_id(%barrier3A_13)
      "tpu.region"() ({
        %run_scoped3A = tpu.sem_alloc : memref<!tpu.dma_semaphore, #tpu.memory_space<semaphore_mem>>
        %dma_start3A = arith.constant 0 : i32
        %dma_start3A_14 = tpu.memref_slice %arg6[%mul3A_0, %dma_start3A] : memref<10240x128xf32, #tpu.memory_space<hbm>> -> memref<640x128xf32, #tpu.memory_space<hbm>>
        %dma_start3A_15 = arith.constant 0 : i32
        %dma_start3A_16 = tpu.memref_slice %arg11[%mul3A_0, %dma_start3A_15] : memref<10240x128xf32, #tpu.memory_space<vmem_shared>> -> memref<640x128xf32, #tpu.memory_space<vmem_shared>>
        tpu.enqueue_dma source(%dma_start3A_16 : memref<640x128xf32, #tpu.memory_space<vmem_shared>>) target(%dma_start3A_14 : memref<640x128xf32, #tpu.memory_space<hbm>>) target_semaphore(%run_scoped3A : memref<!tpu.dma_semaphore, #tpu.memory_space<semaphore_mem>>)
        %dma_wait3A = arith.constant 0 : i32
        %dma_wait3A_17 = tpu.memref_slice %arg6[%mul3A_0, %dma_wait3A] : memref<10240x128xf32, #tpu.memory_space<hbm>> -> memref<640x128xf32, #tpu.memory_space<hbm>>
        %dma_wait3A_18 = arith.constant 0 : i32
        %dma_wait3A_19 = tpu.memref_slice %arg11[%mul3A_0, %dma_wait3A_18] : memref<10240x128xf32, #tpu.memory_space<vmem_shared>> -> memref<640x128xf32, #tpu.memory_space<vmem_shared>>
        tpu.wait_dma2 semaphore(%run_scoped3A : memref<!tpu.dma_semaphore, #tpu.memory_space<semaphore_mem>>) src(%dma_wait3A_19 : memref<640x128xf32, #tpu.memory_space<vmem_shared>>) dst(%dma_wait3A_17 : memref<640x128xf32, #tpu.memory_space<hbm>>)
        tpu.yield
      }) : () -> ()
    } else {
    }
    %eq3A_3 = arith.constant 1 : i32
    %eq3A_4 = arith.cmpi eq, %arg0, %eq3A_3 : i32
    %convert_element_type3A_5 = arith.extui %eq3A_4 : i1 to i32
    %cond3A_6 = arith.constant 0 : i32
    %cond3A_7 = arith.cmpi ne, %convert_element_type3A_5, %cond3A_6 : i32
    scf.if %cond3A_7 {
      "tpu.region"() ({
        %run_scoped3A = tpu.sem_alloc : memref<!tpu.dma_semaphore, #tpu.memory_space<semaphore_mem>>
        %dma_start3A = arith.constant 0 : i32
        %dma_start3A_14 = tpu.memref_slice %arg11[%mul3A_0, %dma_start3A] : memref<10240x128xf32, #tpu.memory_space<vmem_shared>> -> memref<640x128xf32, #tpu.memory_space<vmem_shared>>
        %dma_start3A_15 = arith.constant 0 : i32
        %dma_start3A_16 = tpu.memref_slice %arg3[%mul3A_0, %dma_start3A_15] : memref<10240x128xf32, #tpu.memory_space<hbm>> -> memref<640x128xf32, #tpu.memory_space<hbm>>
        tpu.enqueue_dma source(%dma_start3A_16 : memref<640x128xf32, #tpu.memory_space<hbm>>) target(%dma_start3A_14 : memref<640x128xf32, #tpu.memory_space<vmem_shared>>) target_semaphore(%run_scoped3A : memref<!tpu.dma_semaphore, #tpu.memory_space<semaphore_mem>>)
        %dma_wait3A = arith.constant 0 : i32
        %dma_wait3A_17 = tpu.memref_slice %arg11[%mul3A_0, %dma_wait3A] : memref<10240x128xf32, #tpu.memory_space<vmem_shared>> -> memref<640x128xf32, #tpu.memory_space<vmem_shared>>
        %dma_wait3A_18 = arith.constant 0 : i32
        %dma_wait3A_19 = tpu.memref_slice %arg3[%mul3A_0, %dma_wait3A_18] : memref<10240x128xf32, #tpu.memory_space<hbm>> -> memref<640x128xf32, #tpu.memory_space<hbm>>
        tpu.wait_dma2 semaphore(%run_scoped3A : memref<!tpu.dma_semaphore, #tpu.memory_space<semaphore_mem>>) src(%dma_wait3A_19 : memref<640x128xf32, #tpu.memory_space<hbm>>) dst(%dma_wait3A_17 : memref<640x128xf32, #tpu.memory_space<vmem_shared>>)
        tpu.yield
      }) : () -> ()
      %barrier3A = arith.constant 0 : index
      tpu.barrier barrier_id(%barrier3A)
      %scan3A = arith.constant 0 : i32
      %scan3A_8 = arith.constant 0 : i32
      %scan3A_9 = arith.constant 80 : i32
      %scan3A_10 = arith.addi %scan3A_8, %scan3A_9 : i32
      %scan3A_11 = arith.constant 1 : i32
      scf.for %scan3A_14 = %scan3A_8 to %scan3A_10 step %scan3A_11  : i32 {
        %dma_start3A = arith.constant 0 : i32
        %dma_start3A_15 = tpu.memref_slice %arg8[%scan3A_14, %dma_start3A] : memref<80x128xi32, #tpu.memory_space<vmem>> -> memref<1x128xi32, #tpu.memory_space<vmem>>
        %dma_start3A_16 = tpu.memref_squeeze %dma_start3A_15 : memref<1x128xi32, #tpu.memory_space<vmem>> -> memref<128xi32, #tpu.memory_space<vmem>>
        %dma_start3A_17 = arith.constant 0 : i32
        %dma_start3A_18 = arith.constant 0 : i32
        %dma_start3A_19 = tpu.memref_slice %arg3[%dma_start3A_17, %dma_start3A_18] : memref<10240x128xf32, #tpu.memory_space<hbm>> -> memref<10240x128xf32, #tpu.memory_space<hbm>>
        tpu.enqueue_indirect_dma source(%dma_start3A_19 : memref<10240x128xf32, #tpu.memory_space<hbm>>) target(%arg10 : memref<128x128xf32, #tpu.memory_space<vmem>>) offsets(%dma_start3A_16 : memref<128xi32, #tpu.memory_space<vmem>>) semaphore(%arg12 : memref<!tpu.dma_semaphore, #tpu.memory_space<semaphore_mem>>)
        %dma_wait3A = arith.constant 0 : i32
        %dma_wait3A_20 = tpu.memref_slice %arg8[%scan3A_14, %dma_wait3A] : memref<80x128xi32, #tpu.memory_space<vmem>> -> memref<1x128xi32, #tpu.memory_space<vmem>>
        %dma_wait3A_21 = tpu.memref_squeeze %dma_wait3A_20 : memref<1x128xi32, #tpu.memory_space<vmem>> -> memref<128xi32, #tpu.memory_space<vmem>>
        %dma_wait3A_22 = arith.constant 0 : i32
        %dma_wait3A_23 = arith.constant 0 : i32
        %dma_wait3A_24 = tpu.memref_slice %arg3[%dma_wait3A_22, %dma_wait3A_23] : memref<10240x128xf32, #tpu.memory_space<hbm>> -> memref<10240x128xf32, #tpu.memory_space<hbm>>
        tpu.wait_indirect_dma semaphore(%arg12 : memref<!tpu.dma_semaphore, #tpu.memory_space<semaphore_mem>>) src(%dma_wait3A_24 : memref<10240x128xf32, #tpu.memory_space<hbm>>) dst(%arg10 : memref<128x128xf32, #tpu.memory_space<vmem>>)
        "tpu.region"() ({
          %run_scoped3A = tpu.sem_alloc : memref<!tpu.dma_semaphore, #tpu.memory_space<semaphore_mem>>
          %dma_start3A_25 = arith.constant 0 : i32
          %dma_start3A_26 = tpu.memref_slice %arg9[%scan3A_14, %dma_start3A_25] : memref<80x128xi32, #tpu.memory_space<vmem>> -> memref<1x128xi32, #tpu.memory_space<vmem>>
          %dma_start3A_27 = tpu.memref_squeeze %dma_start3A_26 : memref<1x128xi32, #tpu.memory_space<vmem>> -> memref<128xi32, #tpu.memory_space<vmem>>
          %dma_start3A_28 = arith.constant 0 : i32
          %dma_start3A_29 = arith.constant 0 : i32
          %dma_start3A_30 = tpu.memref_slice %arg11[%dma_start3A_28, %dma_start3A_29] : memref<10240x128xf32, #tpu.memory_space<vmem_shared>> -> memref<10240x128xf32, #tpu.memory_space<vmem_shared>>
          tpu.enqueue_indirect_dma source(%arg10 : memref<128x128xf32, #tpu.memory_space<vmem>>) target(%dma_start3A_30 : memref<10240x128xf32, #tpu.memory_space<vmem_shared>>) offsets(%dma_start3A_27 : memref<128xi32, #tpu.memory_space<vmem>>) semaphore(%run_scoped3A : memref<!tpu.dma_semaphore, #tpu.memory_space<semaphore_mem>>) {add = true}
          %dma_wait3A_31 = arith.constant 0 : i32
          %dma_wait3A_32 = tpu.memref_slice %arg9[%scan3A_14, %dma_wait3A_31] : memref<80x128xi32, #tpu.memory_space<vmem>> -> memref<1x128xi32, #tpu.memory_space<vmem>>
          %dma_wait3A_33 = tpu.memref_squeeze %dma_wait3A_32 : memref<1x128xi32, #tpu.memory_space<vmem>> -> memref<128xi32, #tpu.memory_space<vmem>>
          %dma_wait3A_34 = arith.constant 0 : i32
          %dma_wait3A_35 = arith.constant 0 : i32
          %dma_wait3A_36 = tpu.memref_slice %arg11[%dma_wait3A_34, %dma_wait3A_35] : memref<10240x128xf32, #tpu.memory_space<vmem_shared>> -> memref<10240x128xf32, #tpu.memory_space<vmem_shared>>
          tpu.wait_indirect_dma semaphore(%run_scoped3A : memref<!tpu.dma_semaphore, #tpu.memory_space<semaphore_mem>>) src(%arg10 : memref<128x128xf32, #tpu.memory_space<vmem>>) dst(%dma_wait3A_36 : memref<10240x128xf32, #tpu.memory_space<vmem_shared>>)
          tpu.yield
        }) : () -> ()
      }
      %scan3A_12 = arith.constant 80 : i32
      %barrier3A_13 = arith.constant 0 : index
      tpu.barrier barrier_id(%barrier3A_13)
      "tpu.region"() ({
        %run_scoped3A = tpu.sem_alloc : memref<!tpu.dma_semaphore, #tpu.memory_space<semaphore_mem>>
        %dma_start3A = arith.constant 0 : i32
        %dma_start3A_14 = tpu.memref_slice %arg7[%mul3A_0, %dma_start3A] : memref<10240x128xf32, #tpu.memory_space<hbm>> -> memref<640x128xf32, #tpu.memory_space<hbm>>
        %dma_start3A_15 = arith.constant 0 : i32
        %dma_start3A_16 = tpu.memref_slice %arg11[%mul3A_0, %dma_start3A_15] : memref<10240x128xf32, #tpu.memory_space<vmem_shared>> -> memref<640x128xf32, #tpu.memory_space<vmem_shared>>
        tpu.enqueue_dma source(%dma_start3A_16 : memref<640x128xf32, #tpu.memory_space<vmem_shared>>) target(%dma_start3A_14 : memref<640x128xf32, #tpu.memory_space<hbm>>) target_semaphore(%run_scoped3A : memref<!tpu.dma_semaphore, #tpu.memory_space<semaphore_mem>>)
        %dma_wait3A = arith.constant 0 : i32
        %dma_wait3A_17 = tpu.memref_slice %arg7[%mul3A_0, %dma_wait3A] : memref<10240x128xf32, #tpu.memory_space<hbm>> -> memref<640x128xf32, #tpu.memory_space<hbm>>
        %dma_wait3A_18 = arith.constant 0 : i32
        %dma_wait3A_19 = tpu.memref_slice %arg11[%mul3A_0, %dma_wait3A_18] : memref<10240x128xf32, #tpu.memory_space<vmem_shared>> -> memref<640x128xf32, #tpu.memory_space<vmem_shared>>
        tpu.wait_dma2 semaphore(%run_scoped3A : memref<!tpu.dma_semaphore, #tpu.memory_space<semaphore_mem>>) src(%dma_wait3A_19 : memref<640x128xf32, #tpu.memory_space<vmem_shared>>) dst(%dma_wait3A_17 : memref<640x128xf32, #tpu.memory_space<hbm>>)
        tpu.yield
      }) : () -> ()
    } else {
    }
    return
  }
}

#map = affine_map<(d0, d1) -> (0, 0)>
#map1 = affine_map<(d0, d1) -> (0, 0, 0)>
module attributes {stable_mosaic.version = 14 : i64} {
  func.func @_agg_sc(%arg0: i32, %arg1: i32, %arg2: memref<10240x128xf32, #tpu.memory_space<hbm>>, %arg3: memref<10240x128xf32, #tpu.memory_space<hbm>>, %arg4: memref<16x80x128xi32, #tpu.memory_space<hbm>>, %arg5: memref<16x80x128xi32, #tpu.memory_space<hbm>>, %arg6: memref<10240x128xf32, #tpu.memory_space<hbm>>, %arg7: memref<10240x128xf32, #tpu.memory_space<hbm>>, %arg8: memref<80x128xi32, #tpu.memory_space<vmem>>, %arg9: memref<80x128xi32, #tpu.memory_space<vmem>>, %arg10: memref<128x128xf32, #tpu.memory_space<vmem>>, %arg11: memref<10240x128xf32, #tpu.memory_space<vmem_shared>>, %arg12: memref<!tpu.dma_semaphore, #tpu.memory_space<semaphore_mem>>) attributes {dimension_semantics = [#tpu.dimension_semantics<core_parallel>, #tpu.dimension_semantics<subcore_parallel>], iteration_bounds = array<i64: 2, 16>, scalar_prefetch = 0 : i64, scratch_operands = 5 : i64, tpu.core_type = #tpu.core_type<sc_vector_subcore>, window_params = [{transform_indices = #map}, {transform_indices = #map}, {transform_indices = #map1}, {transform_indices = #map1}, {transform_indices = #map}, {transform_indices = #map}]} {
    %mul3A = arith.constant 640 : i32
    %mul3A_0 = arith.muli %arg1, %mul3A : i32
    "tpu.region"() ({
      %run_scoped3A = tpu.sem_alloc : memref<!tpu.dma_semaphore, #tpu.memory_space<semaphore_mem>>
      %dma_start3A = arith.constant 0 : i32
      %dma_start3A_8 = arith.constant 0 : i32
      %dma_start3A_9 = tpu.memref_slice %arg4[%arg1, %dma_start3A, %dma_start3A_8] : memref<16x80x128xi32, #tpu.memory_space<hbm>> -> memref<1x80x128xi32, #tpu.memory_space<hbm>>
      %dma_start3A_10 = tpu.memref_squeeze %dma_start3A_9 : memref<1x80x128xi32, #tpu.memory_space<hbm>> -> memref<80x128xi32, #tpu.memory_space<hbm>>
      %dma_start3A_11 = arith.constant 0 : i32
      %dma_start3A_12 = arith.constant 0 : i32
      %dma_start3A_13 = tpu.memref_slice %arg4[%arg1, %dma_start3A_11, %dma_start3A_12] : memref<16x80x128xi32, #tpu.memory_space<hbm>> -> memref<1x80x128xi32, #tpu.memory_space<hbm>>
      %dma_start3A_14 = tpu.memref_squeeze %dma_start3A_13 : memref<1x80x128xi32, #tpu.memory_space<hbm>> -> memref<80x128xi32, #tpu.memory_space<hbm>>
      tpu.enqueue_dma source(%dma_start3A_14 : memref<80x128xi32, #tpu.memory_space<hbm>>) target(%arg8 : memref<80x128xi32, #tpu.memory_space<vmem>>) target_semaphore(%run_scoped3A : memref<!tpu.dma_semaphore, #tpu.memory_space<semaphore_mem>>)
      %dma_wait3A = arith.constant 0 : i32
      %dma_wait3A_15 = arith.constant 0 : i32
      %dma_wait3A_16 = tpu.memref_slice %arg4[%arg1, %dma_wait3A, %dma_wait3A_15] : memref<16x80x128xi32, #tpu.memory_space<hbm>> -> memref<1x80x128xi32, #tpu.memory_space<hbm>>
      %dma_wait3A_17 = tpu.memref_squeeze %dma_wait3A_16 : memref<1x80x128xi32, #tpu.memory_space<hbm>> -> memref<80x128xi32, #tpu.memory_space<hbm>>
      %dma_wait3A_18 = arith.constant 0 : i32
      %dma_wait3A_19 = arith.constant 0 : i32
      %dma_wait3A_20 = tpu.memref_slice %arg4[%arg1, %dma_wait3A_18, %dma_wait3A_19] : memref<16x80x128xi32, #tpu.memory_space<hbm>> -> memref<1x80x128xi32, #tpu.memory_space<hbm>>
      %dma_wait3A_21 = tpu.memref_squeeze %dma_wait3A_20 : memref<1x80x128xi32, #tpu.memory_space<hbm>> -> memref<80x128xi32, #tpu.memory_space<hbm>>
      tpu.wait_dma2 semaphore(%run_scoped3A : memref<!tpu.dma_semaphore, #tpu.memory_space<semaphore_mem>>) src(%dma_wait3A_21 : memref<80x128xi32, #tpu.memory_space<hbm>>) dst(%arg8 : memref<80x128xi32, #tpu.memory_space<vmem>>)
      tpu.yield
    }) : () -> ()
    "tpu.region"() ({
      %run_scoped3A = tpu.sem_alloc : memref<!tpu.dma_semaphore, #tpu.memory_space<semaphore_mem>>
      %dma_start3A = arith.constant 0 : i32
      %dma_start3A_8 = arith.constant 0 : i32
      %dma_start3A_9 = tpu.memref_slice %arg5[%arg1, %dma_start3A, %dma_start3A_8] : memref<16x80x128xi32, #tpu.memory_space<hbm>> -> memref<1x80x128xi32, #tpu.memory_space<hbm>>
      %dma_start3A_10 = tpu.memref_squeeze %dma_start3A_9 : memref<1x80x128xi32, #tpu.memory_space<hbm>> -> memref<80x128xi32, #tpu.memory_space<hbm>>
      %dma_start3A_11 = arith.constant 0 : i32
      %dma_start3A_12 = arith.constant 0 : i32
      %dma_start3A_13 = tpu.memref_slice %arg5[%arg1, %dma_start3A_11, %dma_start3A_12] : memref<16x80x128xi32, #tpu.memory_space<hbm>> -> memref<1x80x128xi32, #tpu.memory_space<hbm>>
      %dma_start3A_14 = tpu.memref_squeeze %dma_start3A_13 : memref<1x80x128xi32, #tpu.memory_space<hbm>> -> memref<80x128xi32, #tpu.memory_space<hbm>>
      tpu.enqueue_dma source(%dma_start3A_14 : memref<80x128xi32, #tpu.memory_space<hbm>>) target(%arg9 : memref<80x128xi32, #tpu.memory_space<vmem>>) target_semaphore(%run_scoped3A : memref<!tpu.dma_semaphore, #tpu.memory_space<semaphore_mem>>)
      %dma_wait3A = arith.constant 0 : i32
      %dma_wait3A_15 = arith.constant 0 : i32
      %dma_wait3A_16 = tpu.memref_slice %arg5[%arg1, %dma_wait3A, %dma_wait3A_15] : memref<16x80x128xi32, #tpu.memory_space<hbm>> -> memref<1x80x128xi32, #tpu.memory_space<hbm>>
      %dma_wait3A_17 = tpu.memref_squeeze %dma_wait3A_16 : memref<1x80x128xi32, #tpu.memory_space<hbm>> -> memref<80x128xi32, #tpu.memory_space<hbm>>
      %dma_wait3A_18 = arith.constant 0 : i32
      %dma_wait3A_19 = arith.constant 0 : i32
      %dma_wait3A_20 = tpu.memref_slice %arg5[%arg1, %dma_wait3A_18, %dma_wait3A_19] : memref<16x80x128xi32, #tpu.memory_space<hbm>> -> memref<1x80x128xi32, #tpu.memory_space<hbm>>
      %dma_wait3A_21 = tpu.memref_squeeze %dma_wait3A_20 : memref<1x80x128xi32, #tpu.memory_space<hbm>> -> memref<80x128xi32, #tpu.memory_space<hbm>>
      tpu.wait_dma2 semaphore(%run_scoped3A : memref<!tpu.dma_semaphore, #tpu.memory_space<semaphore_mem>>) src(%dma_wait3A_21 : memref<80x128xi32, #tpu.memory_space<hbm>>) dst(%arg9 : memref<80x128xi32, #tpu.memory_space<vmem>>)
      tpu.yield
    }) : () -> ()
    %eq3A = arith.constant 0 : i32
    %eq3A_1 = arith.cmpi eq, %arg0, %eq3A : i32
    %convert_element_type3A = arith.extui %eq3A_1 : i1 to i32
    %cond3A = arith.constant 0 : i32
    %cond3A_2 = arith.cmpi ne, %convert_element_type3A, %cond3A : i32
    scf.if %cond3A_2 {
      "tpu.region"() ({
        %run_scoped3A = tpu.sem_alloc : memref<!tpu.dma_semaphore, #tpu.memory_space<semaphore_mem>>
        %dma_start3A = arith.constant 0 : i32
        %dma_start3A_14 = tpu.memref_slice %arg11[%mul3A_0, %dma_start3A] : memref<10240x128xf32, #tpu.memory_space<vmem_shared>> -> memref<640x128xf32, #tpu.memory_space<vmem_shared>>
        %dma_start3A_15 = arith.constant 0 : i32
        %dma_start3A_16 = tpu.memref_slice %arg2[%mul3A_0, %dma_start3A_15] : memref<10240x128xf32, #tpu.memory_space<hbm>> -> memref<640x128xf32, #tpu.memory_space<hbm>>
        tpu.enqueue_dma source(%dma_start3A_16 : memref<640x128xf32, #tpu.memory_space<hbm>>) target(%dma_start3A_14 : memref<640x128xf32, #tpu.memory_space<vmem_shared>>) target_semaphore(%run_scoped3A : memref<!tpu.dma_semaphore, #tpu.memory_space<semaphore_mem>>)
        %dma_wait3A = arith.constant 0 : i32
        %dma_wait3A_17 = tpu.memref_slice %arg11[%mul3A_0, %dma_wait3A] : memref<10240x128xf32, #tpu.memory_space<vmem_shared>> -> memref<640x128xf32, #tpu.memory_space<vmem_shared>>
        %dma_wait3A_18 = arith.constant 0 : i32
        %dma_wait3A_19 = tpu.memref_slice %arg2[%mul3A_0, %dma_wait3A_18] : memref<10240x128xf32, #tpu.memory_space<hbm>> -> memref<640x128xf32, #tpu.memory_space<hbm>>
        tpu.wait_dma2 semaphore(%run_scoped3A : memref<!tpu.dma_semaphore, #tpu.memory_space<semaphore_mem>>) src(%dma_wait3A_19 : memref<640x128xf32, #tpu.memory_space<hbm>>) dst(%dma_wait3A_17 : memref<640x128xf32, #tpu.memory_space<vmem_shared>>)
        tpu.yield
      }) : () -> ()
      %barrier3A = arith.constant 0 : index
      tpu.barrier barrier_id(%barrier3A)
      %scan3A = arith.constant 0 : i32
      %scan3A_8 = arith.constant 0 : i32
      %scan3A_9 = arith.constant 80 : i32
      %scan3A_10 = arith.addi %scan3A_8, %scan3A_9 : i32
      %scan3A_11 = arith.constant 1 : i32
      scf.for %scan3A_14 = %scan3A_8 to %scan3A_10 step %scan3A_11  : i32 {
        %dma_start3A = arith.constant 0 : i32
        %dma_start3A_15 = tpu.memref_slice %arg8[%scan3A_14, %dma_start3A] : memref<80x128xi32, #tpu.memory_space<vmem>> -> memref<1x128xi32, #tpu.memory_space<vmem>>
        %dma_start3A_16 = tpu.memref_squeeze %dma_start3A_15 : memref<1x128xi32, #tpu.memory_space<vmem>> -> memref<128xi32, #tpu.memory_space<vmem>>
        %dma_start3A_17 = arith.constant 0 : i32
        %dma_start3A_18 = arith.constant 0 : i32
        %dma_start3A_19 = tpu.memref_slice %arg2[%dma_start3A_17, %dma_start3A_18] : memref<10240x128xf32, #tpu.memory_space<hbm>> -> memref<10240x128xf32, #tpu.memory_space<hbm>>
        tpu.enqueue_indirect_dma source(%dma_start3A_19 : memref<10240x128xf32, #tpu.memory_space<hbm>>) target(%arg10 : memref<128x128xf32, #tpu.memory_space<vmem>>) offsets(%dma_start3A_16 : memref<128xi32, #tpu.memory_space<vmem>>) semaphore(%arg12 : memref<!tpu.dma_semaphore, #tpu.memory_space<semaphore_mem>>)
        %dma_wait3A = arith.constant 0 : i32
        %dma_wait3A_20 = tpu.memref_slice %arg8[%scan3A_14, %dma_wait3A] : memref<80x128xi32, #tpu.memory_space<vmem>> -> memref<1x128xi32, #tpu.memory_space<vmem>>
        %dma_wait3A_21 = tpu.memref_squeeze %dma_wait3A_20 : memref<1x128xi32, #tpu.memory_space<vmem>> -> memref<128xi32, #tpu.memory_space<vmem>>
        %dma_wait3A_22 = arith.constant 0 : i32
        %dma_wait3A_23 = arith.constant 0 : i32
        %dma_wait3A_24 = tpu.memref_slice %arg2[%dma_wait3A_22, %dma_wait3A_23] : memref<10240x128xf32, #tpu.memory_space<hbm>> -> memref<10240x128xf32, #tpu.memory_space<hbm>>
        tpu.wait_indirect_dma semaphore(%arg12 : memref<!tpu.dma_semaphore, #tpu.memory_space<semaphore_mem>>) src(%dma_wait3A_24 : memref<10240x128xf32, #tpu.memory_space<hbm>>) dst(%arg10 : memref<128x128xf32, #tpu.memory_space<vmem>>)
        "tpu.region"() ({
          %run_scoped3A = tpu.sem_alloc : memref<!tpu.dma_semaphore, #tpu.memory_space<semaphore_mem>>
          %dma_start3A_25 = arith.constant 0 : i32
          %dma_start3A_26 = tpu.memref_slice %arg9[%scan3A_14, %dma_start3A_25] : memref<80x128xi32, #tpu.memory_space<vmem>> -> memref<1x128xi32, #tpu.memory_space<vmem>>
          %dma_start3A_27 = tpu.memref_squeeze %dma_start3A_26 : memref<1x128xi32, #tpu.memory_space<vmem>> -> memref<128xi32, #tpu.memory_space<vmem>>
          %dma_start3A_28 = arith.constant 0 : i32
          %dma_start3A_29 = arith.constant 0 : i32
          %dma_start3A_30 = tpu.memref_slice %arg11[%dma_start3A_28, %dma_start3A_29] : memref<10240x128xf32, #tpu.memory_space<vmem_shared>> -> memref<10240x128xf32, #tpu.memory_space<vmem_shared>>
          tpu.enqueue_indirect_dma source(%arg10 : memref<128x128xf32, #tpu.memory_space<vmem>>) target(%dma_start3A_30 : memref<10240x128xf32, #tpu.memory_space<vmem_shared>>) offsets(%dma_start3A_27 : memref<128xi32, #tpu.memory_space<vmem>>) semaphore(%run_scoped3A : memref<!tpu.dma_semaphore, #tpu.memory_space<semaphore_mem>>) {add = true}
          %dma_wait3A_31 = arith.constant 0 : i32
          %dma_wait3A_32 = tpu.memref_slice %arg9[%scan3A_14, %dma_wait3A_31] : memref<80x128xi32, #tpu.memory_space<vmem>> -> memref<1x128xi32, #tpu.memory_space<vmem>>
          %dma_wait3A_33 = tpu.memref_squeeze %dma_wait3A_32 : memref<1x128xi32, #tpu.memory_space<vmem>> -> memref<128xi32, #tpu.memory_space<vmem>>
          %dma_wait3A_34 = arith.constant 0 : i32
          %dma_wait3A_35 = arith.constant 0 : i32
          %dma_wait3A_36 = tpu.memref_slice %arg11[%dma_wait3A_34, %dma_wait3A_35] : memref<10240x128xf32, #tpu.memory_space<vmem_shared>> -> memref<10240x128xf32, #tpu.memory_space<vmem_shared>>
          tpu.wait_indirect_dma semaphore(%run_scoped3A : memref<!tpu.dma_semaphore, #tpu.memory_space<semaphore_mem>>) src(%arg10 : memref<128x128xf32, #tpu.memory_space<vmem>>) dst(%dma_wait3A_36 : memref<10240x128xf32, #tpu.memory_space<vmem_shared>>)
          tpu.yield
        }) : () -> ()
      }
      %scan3A_12 = arith.constant 80 : i32
      %barrier3A_13 = arith.constant 0 : index
      tpu.barrier barrier_id(%barrier3A_13)
      "tpu.region"() ({
        %run_scoped3A = tpu.sem_alloc : memref<!tpu.dma_semaphore, #tpu.memory_space<semaphore_mem>>
        %dma_start3A = arith.constant 0 : i32
        %dma_start3A_14 = tpu.memref_slice %arg6[%mul3A_0, %dma_start3A] : memref<10240x128xf32, #tpu.memory_space<hbm>> -> memref<640x128xf32, #tpu.memory_space<hbm>>
        %dma_start3A_15 = arith.constant 0 : i32
        %dma_start3A_16 = tpu.memref_slice %arg11[%mul3A_0, %dma_start3A_15] : memref<10240x128xf32, #tpu.memory_space<vmem_shared>> -> memref<640x128xf32, #tpu.memory_space<vmem_shared>>
        tpu.enqueue_dma source(%dma_start3A_16 : memref<640x128xf32, #tpu.memory_space<vmem_shared>>) target(%dma_start3A_14 : memref<640x128xf32, #tpu.memory_space<hbm>>) target_semaphore(%run_scoped3A : memref<!tpu.dma_semaphore, #tpu.memory_space<semaphore_mem>>)
        %dma_wait3A = arith.constant 0 : i32
        %dma_wait3A_17 = tpu.memref_slice %arg6[%mul3A_0, %dma_wait3A] : memref<10240x128xf32, #tpu.memory_space<hbm>> -> memref<640x128xf32, #tpu.memory_space<hbm>>
        %dma_wait3A_18 = arith.constant 0 : i32
        %dma_wait3A_19 = tpu.memref_slice %arg11[%mul3A_0, %dma_wait3A_18] : memref<10240x128xf32, #tpu.memory_space<vmem_shared>> -> memref<640x128xf32, #tpu.memory_space<vmem_shared>>
        tpu.wait_dma2 semaphore(%run_scoped3A : memref<!tpu.dma_semaphore, #tpu.memory_space<semaphore_mem>>) src(%dma_wait3A_19 : memref<640x128xf32, #tpu.memory_space<vmem_shared>>) dst(%dma_wait3A_17 : memref<640x128xf32, #tpu.memory_space<hbm>>)
        tpu.yield
      }) : () -> ()
    } else {
    }
    %eq3A_3 = arith.constant 1 : i32
    %eq3A_4 = arith.cmpi eq, %arg0, %eq3A_3 : i32
    %convert_element_type3A_5 = arith.extui %eq3A_4 : i1 to i32
    %cond3A_6 = arith.constant 0 : i32
    %cond3A_7 = arith.cmpi ne, %convert_element_type3A_5, %cond3A_6 : i32
    scf.if %cond3A_7 {
      "tpu.region"() ({
        %run_scoped3A = tpu.sem_alloc : memref<!tpu.dma_semaphore, #tpu.memory_space<semaphore_mem>>
        %dma_start3A = arith.constant 0 : i32
        %dma_start3A_14 = tpu.memref_slice %arg11[%mul3A_0, %dma_start3A] : memref<10240x128xf32, #tpu.memory_space<vmem_shared>> -> memref<640x128xf32, #tpu.memory_space<vmem_shared>>
        %dma_start3A_15 = arith.constant 0 : i32
        %dma_start3A_16 = tpu.memref_slice %arg3[%mul3A_0, %dma_start3A_15] : memref<10240x128xf32, #tpu.memory_space<hbm>> -> memref<640x128xf32, #tpu.memory_space<hbm>>
        tpu.enqueue_dma source(%dma_start3A_16 : memref<640x128xf32, #tpu.memory_space<hbm>>) target(%dma_start3A_14 : memref<640x128xf32, #tpu.memory_space<vmem_shared>>) target_semaphore(%run_scoped3A : memref<!tpu.dma_semaphore, #tpu.memory_space<semaphore_mem>>)
        %dma_wait3A = arith.constant 0 : i32
        %dma_wait3A_17 = tpu.memref_slice %arg11[%mul3A_0, %dma_wait3A] : memref<10240x128xf32, #tpu.memory_space<vmem_shared>> -> memref<640x128xf32, #tpu.memory_space<vmem_shared>>
        %dma_wait3A_18 = arith.constant 0 : i32
        %dma_wait3A_19 = tpu.memref_slice %arg3[%mul3A_0, %dma_wait3A_18] : memref<10240x128xf32, #tpu.memory_space<hbm>> -> memref<640x128xf32, #tpu.memory_space<hbm>>
        tpu.wait_dma2 semaphore(%run_scoped3A : memref<!tpu.dma_semaphore, #tpu.memory_space<semaphore_mem>>) src(%dma_wait3A_19 : memref<640x128xf32, #tpu.memory_space<hbm>>) dst(%dma_wait3A_17 : memref<640x128xf32, #tpu.memory_space<vmem_shared>>)
        tpu.yield
      }) : () -> ()
      %barrier3A = arith.constant 0 : index
      tpu.barrier barrier_id(%barrier3A)
      %scan3A = arith.constant 0 : i32
      %scan3A_8 = arith.constant 0 : i32
      %scan3A_9 = arith.constant 80 : i32
      %scan3A_10 = arith.addi %scan3A_8, %scan3A_9 : i32
      %scan3A_11 = arith.constant 1 : i32
      scf.for %scan3A_14 = %scan3A_8 to %scan3A_10 step %scan3A_11  : i32 {
        %dma_start3A = arith.constant 0 : i32
        %dma_start3A_15 = tpu.memref_slice %arg8[%scan3A_14, %dma_start3A] : memref<80x128xi32, #tpu.memory_space<vmem>> -> memref<1x128xi32, #tpu.memory_space<vmem>>
        %dma_start3A_16 = tpu.memref_squeeze %dma_start3A_15 : memref<1x128xi32, #tpu.memory_space<vmem>> -> memref<128xi32, #tpu.memory_space<vmem>>
        %dma_start3A_17 = arith.constant 0 : i32
        %dma_start3A_18 = arith.constant 0 : i32
        %dma_start3A_19 = tpu.memref_slice %arg3[%dma_start3A_17, %dma_start3A_18] : memref<10240x128xf32, #tpu.memory_space<hbm>> -> memref<10240x128xf32, #tpu.memory_space<hbm>>
        tpu.enqueue_indirect_dma source(%dma_start3A_19 : memref<10240x128xf32, #tpu.memory_space<hbm>>) target(%arg10 : memref<128x128xf32, #tpu.memory_space<vmem>>) offsets(%dma_start3A_16 : memref<128xi32, #tpu.memory_space<vmem>>) semaphore(%arg12 : memref<!tpu.dma_semaphore, #tpu.memory_space<semaphore_mem>>)
        %dma_wait3A = arith.constant 0 : i32
        %dma_wait3A_20 = tpu.memref_slice %arg8[%scan3A_14, %dma_wait3A] : memref<80x128xi32, #tpu.memory_space<vmem>> -> memref<1x128xi32, #tpu.memory_space<vmem>>
        %dma_wait3A_21 = tpu.memref_squeeze %dma_wait3A_20 : memref<1x128xi32, #tpu.memory_space<vmem>> -> memref<128xi32, #tpu.memory_space<vmem>>
        %dma_wait3A_22 = arith.constant 0 : i32
        %dma_wait3A_23 = arith.constant 0 : i32
        %dma_wait3A_24 = tpu.memref_slice %arg3[%dma_wait3A_22, %dma_wait3A_23] : memref<10240x128xf32, #tpu.memory_space<hbm>> -> memref<10240x128xf32, #tpu.memory_space<hbm>>
        tpu.wait_indirect_dma semaphore(%arg12 : memref<!tpu.dma_semaphore, #tpu.memory_space<semaphore_mem>>) src(%dma_wait3A_24 : memref<10240x128xf32, #tpu.memory_space<hbm>>) dst(%arg10 : memref<128x128xf32, #tpu.memory_space<vmem>>)
        "tpu.region"() ({
          %run_scoped3A = tpu.sem_alloc : memref<!tpu.dma_semaphore, #tpu.memory_space<semaphore_mem>>
          %dma_start3A_25 = arith.constant 0 : i32
          %dma_start3A_26 = tpu.memref_slice %arg9[%scan3A_14, %dma_start3A_25] : memref<80x128xi32, #tpu.memory_space<vmem>> -> memref<1x128xi32, #tpu.memory_space<vmem>>
          %dma_start3A_27 = tpu.memref_squeeze %dma_start3A_26 : memref<1x128xi32, #tpu.memory_space<vmem>> -> memref<128xi32, #tpu.memory_space<vmem>>
          %dma_start3A_28 = arith.constant 0 : i32
          %dma_start3A_29 = arith.constant 0 : i32
          %dma_start3A_30 = tpu.memref_slice %arg11[%dma_start3A_28, %dma_start3A_29] : memref<10240x128xf32, #tpu.memory_space<vmem_shared>> -> memref<10240x128xf32, #tpu.memory_space<vmem_shared>>
          tpu.enqueue_indirect_dma source(%arg10 : memref<128x128xf32, #tpu.memory_space<vmem>>) target(%dma_start3A_30 : memref<10240x128xf32, #tpu.memory_space<vmem_shared>>) offsets(%dma_start3A_27 : memref<128xi32, #tpu.memory_space<vmem>>) semaphore(%run_scoped3A : memref<!tpu.dma_semaphore, #tpu.memory_space<semaphore_mem>>) {add = true}
          %dma_wait3A_31 = arith.constant 0 : i32
          %dma_wait3A_32 = tpu.memref_slice %arg9[%scan3A_14, %dma_wait3A_31] : memref<80x128xi32, #tpu.memory_space<vmem>> -> memref<1x128xi32, #tpu.memory_space<vmem>>
          %dma_wait3A_33 = tpu.memref_squeeze %dma_wait3A_32 : memref<1x128xi32, #tpu.memory_space<vmem>> -> memref<128xi32, #tpu.memory_space<vmem>>
          %dma_wait3A_34 = arith.constant 0 : i32
          %dma_wait3A_35 = arith.constant 0 : i32
          %dma_wait3A_36 = tpu.memref_slice %arg11[%dma_wait3A_34, %dma_wait3A_35] : memref<10240x128xf32, #tpu.memory_space<vmem_shared>> -> memref<10240x128xf32, #tpu.memory_space<vmem_shared>>
          tpu.wait_indirect_dma semaphore(%run_scoped3A : memref<!tpu.dma_semaphore, #tpu.memory_space<semaphore_mem>>) src(%arg10 : memref<128x128xf32, #tpu.memory_space<vmem>>) dst(%dma_wait3A_36 : memref<10240x128xf32, #tpu.memory_space<vmem_shared>>)
          tpu.yield
        }) : () -> ()
      }
      %scan3A_12 = arith.constant 80 : i32
      %barrier3A_13 = arith.constant 0 : index
      tpu.barrier barrier_id(%barrier3A_13)
      "tpu.region"() ({
        %run_scoped3A = tpu.sem_alloc : memref<!tpu.dma_semaphore, #tpu.memory_space<semaphore_mem>>
        %dma_start3A = arith.constant 0 : i32
        %dma_start3A_14 = tpu.memref_slice %arg7[%mul3A_0, %dma_start3A] : memref<10240x128xf32, #tpu.memory_space<hbm>> -> memref<640x128xf32, #tpu.memory_space<hbm>>
        %dma_start3A_15 = arith.constant 0 : i32
        %dma_start3A_16 = tpu.memref_slice %arg11[%mul3A_0, %dma_start3A_15] : memref<10240x128xf32, #tpu.memory_space<vmem_shared>> -> memref<640x128xf32, #tpu.memory_space<vmem_shared>>
        tpu.enqueue_dma source(%dma_start3A_16 : memref<640x128xf32, #tpu.memory_space<vmem_shared>>) target(%dma_start3A_14 : memref<640x128xf32, #tpu.memory_space<hbm>>) target_semaphore(%run_scoped3A : memref<!tpu.dma_semaphore, #tpu.memory_space<semaphore_mem>>)
        %dma_wait3A = arith.constant 0 : i32
        %dma_wait3A_17 = tpu.memref_slice %arg7[%mul3A_0, %dma_wait3A] : memref<10240x128xf32, #tpu.memory_space<hbm>> -> memref<640x128xf32, #tpu.memory_space<hbm>>
        %dma_wait3A_18 = arith.constant 0 : i32
        %dma_wait3A_19 = tpu.memref_slice %arg11[%mul3A_0, %dma_wait3A_18] : memref<10240x128xf32, #tpu.memory_space<vmem_shared>> -> memref<640x128xf32, #tpu.memory_space<vmem_shared>>
        tpu.wait_dma2 semaphore(%run_scoped3A : memref<!tpu.dma_semaphore, #tpu.memory_space<semaphore_mem>>) src(%dma_wait3A_19 : memref<640x128xf32, #tpu.memory_space<vmem_shared>>) dst(%dma_wait3A_17 : memref<640x128xf32, #tpu.memory_space<hbm>>)
        tpu.yield
      }) : () -> ()
    } else {
    }
    return
  }
}

module attributes {stable_mosaic.version = 14 : i64} {
  func.func @_fin_body(%arg0: i32, %arg1: memref<1000x128xf32, #tpu.memory_space<vmem>>, %arg2: memref<1000x128xf32, #tpu.memory_space<vmem>>, %arg3: memref<1000x128xf32, #tpu.memory_space<vmem>>, %arg4: memref<1x256xf32, #tpu.memory_space<vmem>>, %arg5: memref<1000x256xf32, #tpu.memory_space<vmem>>) attributes {dimension_semantics = [#tpu.dimension_semantics<arbitrary>], iteration_bounds = array<i64: 10>, scalar_prefetch = 0 : i64, scratch_operands = 0 : i64, tpu.core_type = #tpu.core_type<tc>, window_params = [{transform_indices = @transform_0, window_bounds = array<i64: 1000, 128>}, {transform_indices = @transform_1, window_bounds = array<i64: 1000, 128>}, {transform_indices = @transform_2, window_bounds = array<i64: 1000, 128>}, {pipeline_mode = #tpu.pipeline_mode<synchronous>, transform_indices = @transform_3, window_bounds = array<i64: 1, 256>}, {transform_indices = @transform_4, window_bounds = array<i64: 1000, 256>}]} {
    %get3A = arith.constant 0 : index
    %get3A_0 = arith.constant 0 : index
    %get3A_1 = vector.load %arg3[%get3A, %get3A_0] : memref<1000x128xf32, #tpu.memory_space<vmem>>, vector<1000x1xf32>
    %rsqrt3A = math.rsqrt %get3A_1 : vector<1000x1xf32>
    %get3A_2 = arith.constant 0 : index
    %get3A_3 = arith.constant 0 : index
    %get3A_4 = vector.load %arg1[%get3A_2, %get3A_3] : memref<1000x128xf32, #tpu.memory_space<vmem>>, vector<1000x128xf32>
    %get3A_5 = arith.constant 0 : index
    %get3A_6 = arith.constant 0 : index
    %get3A_7 = vector.load %arg2[%get3A_5, %get3A_6] : memref<1000x128xf32, #tpu.memory_space<vmem>>, vector<1000x128xf32>
    %concatenate3A = tpu.concatenate %get3A_4, %get3A_7 in 1 : vector<1000x128xf32>, vector<1000x128xf32> -> vector<1000x256xf32>
    %mul3A = vector.broadcast %rsqrt3A : vector<1000x1xf32> to vector<1000x256xf32>
    %mul3A_8 = arith.mulf %concatenate3A, %mul3A : vector<1000x256xf32>
    %get3A_9 = arith.constant 0 : index
    %get3A_10 = arith.constant 0 : index
    %get3A_11 = vector.load %arg4[%get3A_9, %get3A_10] : memref<1x256xf32, #tpu.memory_space<vmem>>, vector<1x256xf32>
    %add3A = vector.broadcast %get3A_11 : vector<1x256xf32> to vector<1000x256xf32>
    %add3A_12 = arith.addf %mul3A_8, %add3A : vector<1000x256xf32>
    %swap3A = arith.constant 0 : index
    %swap3A_13 = arith.constant 0 : index
    %swap3A_14 = vector.load %arg5[%swap3A, %swap3A_13] : memref<1000x256xf32, #tpu.memory_space<vmem>>, vector<1000x256xf32>
    tpu.vector_store %arg5[%swap3A, %swap3A_13], %add3A_12 {strides = array<i32>} : memref<1000x256xf32, #tpu.memory_space<vmem>>, vector<1000x256xf32>,
    return
  }
  func.func @transform_0(%arg0: i32) -> (i32, i32) {
    %c0_i32 = arith.constant 0 : i32
    %c0_i32_0 = arith.constant 0 : i32
    return %arg0, %c0_i32 : i32, i32
  }
  func.func @transform_1(%arg0: i32) -> (i32, i32) {
    %c0_i32 = arith.constant 0 : i32
    %c0_i32_0 = arith.constant 0 : i32
    return %arg0, %c0_i32 : i32, i32
  }
  func.func @transform_2(%arg0: i32) -> (i32, i32) {
    %c0_i32 = arith.constant 0 : i32
    %c0_i32_0 = arith.constant 0 : i32
    return %arg0, %c0_i32 : i32, i32
  }
  func.func @transform_3(%arg0: i32) -> (i32, i32) {
    %c0_i32 = arith.constant 0 : i32
    %c0_i32_0 = arith.constant 0 : i32
    %c0_i32_1 = arith.constant 0 : i32
    return %c0_i32, %c0_i32_0 : i32, i32
  }
  func.func @transform_4(%arg0: i32) -> (i32, i32) {
    %c0_i32 = arith.constant 0 : i32
    %c0_i32_0 = arith.constant 0 : i32
    return %arg0, %c0_i32 : i32, i32
  }
}

module attributes {stable_mosaic.version = 14 : i64} {
  func.func @_mm1_body(%arg0: i32, %arg1: memref<1000x256xf32, #tpu.memory_space<vmem>>, %arg2: memref<256x256xf32, #tpu.memory_space<vmem>>, %arg3: memref<1000x128xf32, #tpu.memory_space<vmem>>, %arg4: memref<1000x128xf32, #tpu.memory_space<vmem>>, %arg5: memref<1000x128xf32, #tpu.memory_space<vmem>>) attributes {dimension_semantics = [#tpu.dimension_semantics<arbitrary>], iteration_bounds = array<i64: 10>, scalar_prefetch = 0 : i64, scratch_operands = 0 : i64, tpu.core_type = #tpu.core_type<tc>, window_params = [{transform_indices = @transform_0, window_bounds = array<i64: 1000, 256>}, {pipeline_mode = #tpu.pipeline_mode<synchronous>, transform_indices = @transform_1, window_bounds = array<i64: 256, 256>}, {transform_indices = @transform_2, window_bounds = array<i64: 1000, 128>}, {transform_indices = @transform_3, window_bounds = array<i64: 1000, 128>}, {transform_indices = @transform_4, window_bounds = array<i64: 1000, 128>}]} {
    %get3A = arith.constant 0 : index
    %get3A_0 = arith.constant 0 : index
    %get3A_1 = vector.load %arg3[%get3A, %get3A_0] : memref<1000x128xf32, #tpu.memory_space<vmem>>, vector<1000x1xf32>
    %rsqrt3A = math.rsqrt %get3A_1 : vector<1000x1xf32>
    %get3A_2 = arith.constant 0 : index
    %get3A_3 = arith.constant 0 : index
    %get3A_4 = vector.load %arg1[%get3A_2, %get3A_3] : memref<1000x256xf32, #tpu.memory_space<vmem>>, vector<1000x256xf32>
    %get3A_5 = arith.constant 0 : index
    %get3A_6 = arith.constant 0 : index
    %get3A_7 = vector.load %arg2[%get3A_5, %get3A_6] : memref<256x256xf32, #tpu.memory_space<vmem>>, vector<256x256xf32>
    %dot_general3A = arith.constant dense<0.000000e+00> : vector<1000x256xf32>
    %dot_general3A_8 = tpu.matmul %get3A_4, %get3A_7, %dot_general3A {dimension_numbers = #tpu.dot_dimension_numbers<[1], [0], [0], [1], [0, 0, 1, 1], [], []>, transpose_lhs_hint = false} : vector<1000x256xf32>, vector<256x256xf32>, vector<1000x256xf32> -> vector<1000x256xf32>
    %mul3A = vector.broadcast %rsqrt3A : vector<1000x1xf32> to vector<1000x256xf32>
    %mul3A_9 = arith.mulf %dot_general3A_8, %mul3A : vector<1000x256xf32>
    %slice3A = vector.extract_strided_slice %mul3A_9 {offsets = [0, 0], sizes = [1000, 128], strides = [1, 1]} : vector<1000x256xf32> to vector<1000x128xf32>
    %swap3A = arith.constant 0 : index
    %swap3A_10 = arith.constant 0 : index
    %swap3A_11 = vector.load %arg4[%swap3A, %swap3A_10] : memref<1000x128xf32, #tpu.memory_space<vmem>>, vector<1000x128xf32>
    tpu.vector_store %arg4[%swap3A, %swap3A_10], %slice3A {strides = array<i32>} : memref<1000x128xf32, #tpu.memory_space<vmem>>, vector<1000x128xf32>,
    %slice3A_12 = vector.extract_strided_slice %mul3A_9 {offsets = [0, 128], sizes = [1000, 128], strides = [1, 1]} : vector<1000x256xf32> to vector<1000x128xf32>
    %swap3A_13 = arith.constant 0 : index
    %swap3A_14 = arith.constant 0 : index
    %swap3A_15 = vector.load %arg5[%swap3A_13, %swap3A_14] : memref<1000x128xf32, #tpu.memory_space<vmem>>, vector<1000x128xf32>
    tpu.vector_store %arg5[%swap3A_13, %swap3A_14], %slice3A_12 {strides = array<i32>} : memref<1000x128xf32, #tpu.memory_space<vmem>>, vector<1000x128xf32>,
    return
  }
  func.func @transform_0(%arg0: i32) -> (i32, i32) {
    %c0_i32 = arith.constant 0 : i32
    %c0_i32_0 = arith.constant 0 : i32
    return %arg0, %c0_i32 : i32, i32
  }
  func.func @transform_1(%arg0: i32) -> (i32, i32) {
    %c0_i32 = arith.constant 0 : i32
    %c0_i32_0 = arith.constant 0 : i32
    %c0_i32_1 = arith.constant 0 : i32
    return %c0_i32, %c0_i32_0 : i32, i32
  }
  func.func @transform_2(%arg0: i32) -> (i32, i32) {
    %c0_i32 = arith.constant 0 : i32
    %c0_i32_0 = arith.constant 0 : i32
    return %arg0, %c0_i32 : i32, i32
  }
  func.func @transform_3(%arg0: i32) -> (i32, i32) {
    %c0_i32 = arith.constant 0 : i32
    %c0_i32_0 = arith.constant 0 : i32
    return %arg0, %c0_i32 : i32, i32
  }
  func.func @transform_4(%arg0: i32) -> (i32, i32) {
    %c0_i32 = arith.constant 0 : i32
    %c0_i32_0 = arith.constant 0 : i32
    return %arg0, %c0_i32 : i32, i32
  }
}

module attributes {stable_mosaic.version = 14 : i64} {
  func.func @_mid_body(%arg0: i32, %arg1: memref<1000x128xf32, #tpu.memory_space<vmem>>, %arg2: memref<1000x128xf32, #tpu.memory_space<vmem>>, %arg3: memref<1000x128xf32, #tpu.memory_space<vmem>>, %arg4: memref<1x256xf32, #tpu.memory_space<vmem>>, %arg5: memref<256x256xf32, #tpu.memory_space<vmem>>, %arg6: memref<1000x128xf32, #tpu.memory_space<vmem>>, %arg7: memref<1000x128xf32, #tpu.memory_space<vmem>>) attributes {dimension_semantics = [#tpu.dimension_semantics<arbitrary>], iteration_bounds = array<i64: 10>, scalar_prefetch = 0 : i64, scratch_operands = 0 : i64, tpu.core_type = #tpu.core_type<tc>, window_params = [{transform_indices = @transform_0, window_bounds = array<i64: 1000, 128>}, {transform_indices = @transform_1, window_bounds = array<i64: 1000, 128>}, {transform_indices = @transform_2, window_bounds = array<i64: 1000, 128>}, {pipeline_mode = #tpu.pipeline_mode<synchronous>, transform_indices = @transform_3, window_bounds = array<i64: 1, 256>}, {pipeline_mode = #tpu.pipeline_mode<synchronous>, transform_indices = @transform_4, window_bounds = array<i64: 256, 256>}, {transform_indices = @transform_5, window_bounds = array<i64: 1000, 128>}, {transform_indices = @transform_6, window_bounds = array<i64: 1000, 128>}]} {
    %get3A = arith.constant 0 : index
    %get3A_0 = arith.constant 0 : index
    %get3A_1 = vector.load %arg3[%get3A, %get3A_0] : memref<1000x128xf32, #tpu.memory_space<vmem>>, vector<1000x1xf32>
    %rsqrt3A = math.rsqrt %get3A_1 : vector<1000x1xf32>
    %get3A_2 = arith.constant 0 : index
    %get3A_3 = arith.constant 0 : index
    %get3A_4 = vector.load %arg1[%get3A_2, %get3A_3] : memref<1000x128xf32, #tpu.memory_space<vmem>>, vector<1000x128xf32>
    %get3A_5 = arith.constant 0 : index
    %get3A_6 = arith.constant 0 : index
    %get3A_7 = vector.load %arg2[%get3A_5, %get3A_6] : memref<1000x128xf32, #tpu.memory_space<vmem>>, vector<1000x128xf32>
    %concatenate3A = tpu.concatenate %get3A_4, %get3A_7 in 1 : vector<1000x128xf32>, vector<1000x128xf32> -> vector<1000x256xf32>
    %mul3A = vector.broadcast %rsqrt3A : vector<1000x1xf32> to vector<1000x256xf32>
    %mul3A_8 = arith.mulf %concatenate3A, %mul3A : vector<1000x256xf32>
    %get3A_9 = arith.constant 0 : index
    %get3A_10 = arith.constant 0 : index
    %get3A_11 = vector.load %arg4[%get3A_9, %get3A_10] : memref<1x256xf32, #tpu.memory_space<vmem>>, vector<1x256xf32>
    %add3A = vector.broadcast %get3A_11 : vector<1x256xf32> to vector<1000x256xf32>
    %add3A_12 = arith.addf %mul3A_8, %add3A : vector<1000x256xf32>
    %max3A = arith.constant 0.000000e+00 : f32
    %max3A_13 = vector.broadcast %max3A : f32 to vector<1000x256xf32>
    %max3A_14 = arith.maximumf %add3A_12, %max3A_13 : vector<1000x256xf32>
    %get3A_15 = arith.constant 0 : index
    %get3A_16 = arith.constant 0 : index
    %get3A_17 = vector.load %arg5[%get3A_15, %get3A_16] : memref<256x256xf32, #tpu.memory_space<vmem>>, vector<256x256xf32>
    %dot_general3A = arith.constant dense<0.000000e+00> : vector<1000x256xf32>
    %dot_general3A_18 = tpu.matmul %max3A_14, %get3A_17, %dot_general3A {dimension_numbers = #tpu.dot_dimension_numbers<[1], [0], [0], [1], [0, 0, 1, 1], [], []>, transpose_lhs_hint = false} : vector<1000x256xf32>, vector<256x256xf32>, vector<1000x256xf32> -> vector<1000x256xf32>
    %mul3A_19 = vector.broadcast %rsqrt3A : vector<1000x1xf32> to vector<1000x256xf32>
    %mul3A_20 = arith.mulf %dot_general3A_18, %mul3A_19 : vector<1000x256xf32>
    %slice3A = vector.extract_strided_slice %mul3A_20 {offsets = [0, 0], sizes = [1000, 128], strides = [1, 1]} : vector<1000x256xf32> to vector<1000x128xf32>
    %swap3A = arith.constant 0 : index
    %swap3A_21 = arith.constant 0 : index
    %swap3A_22 = vector.load %arg6[%swap3A, %swap3A_21] : memref<1000x128xf32, #tpu.memory_space<vmem>>, vector<1000x128xf32>
    tpu.vector_store %arg6[%swap3A, %swap3A_21], %slice3A {strides = array<i32>} : memref<1000x128xf32, #tpu.memory_space<vmem>>, vector<1000x128xf32>,
    %slice3A_23 = vector.extract_strided_slice %mul3A_20 {offsets = [0, 128], sizes = [1000, 128], strides = [1, 1]} : vector<1000x256xf32> to vector<1000x128xf32>
    %swap3A_24 = arith.constant 0 : index
    %swap3A_25 = arith.constant 0 : index
    %swap3A_26 = vector.load %arg7[%swap3A_24, %swap3A_25] : memref<1000x128xf32, #tpu.memory_space<vmem>>, vector<1000x128xf32>
    tpu.vector_store %arg7[%swap3A_24, %swap3A_25], %slice3A_23 {strides = array<i32>} : memref<1000x128xf32, #tpu.memory_space<vmem>>, vector<1000x128xf32>,
    return
  }
  func.func @transform_0(%arg0: i32) -> (i32, i32) {
    %c0_i32 = arith.constant 0 : i32
    %c0_i32_0 = arith.constant 0 : i32
    return %arg0, %c0_i32 : i32, i32
  }
  func.func @transform_1(%arg0: i32) -> (i32, i32) {
    %c0_i32 = arith.constant 0 : i32
    %c0_i32_0 = arith.constant 0 : i32
    return %arg0, %c0_i32 : i32, i32
  }
  func.func @transform_2(%arg0: i32) -> (i32, i32) {
    %c0_i32 = arith.constant 0 : i32
    %c0_i32_0 = arith.constant 0 : i32
    return %arg0, %c0_i32 : i32, i32
  }
  func.func @transform_3(%arg0: i32) -> (i32, i32) {
    %c0_i32 = arith.constant 0 : i32
    %c0_i32_0 = arith.constant 0 : i32
    %c0_i32_1 = arith.constant 0 : i32
    return %c0_i32, %c0_i32_0 : i32, i32
  }
  func.func @transform_4(%arg0: i32) -> (i32, i32) {
    %c0_i32 = arith.constant 0 : i32
    %c0_i32_0 = arith.constant 0 : i32
    %c0_i32_1 = arith.constant 0 : i32
    return %c0_i32, %c0_i32_0 : i32, i32
  }
  func.func @transform_5(%arg0: i32) -> (i32, i32) {
    %c0_i32 = arith.constant 0 : i32
    %c0_i32_0 = arith.constant 0 : i32
    return %arg0, %c0_i32 : i32, i32
  }
  func.func @transform_6(%arg0: i32) -> (i32, i32) {
    %c0_i32 = arith.constant 0 : i32
    %c0_i32_0 = arith.constant 0 : i32
    return %arg0, %c0_i32 : i32, i32
  }
}

</mosaic_0001>

<sc_bundles>
// kernel: kernel.10.cloned.1.call-start
scs
__scs_entry_jumppad:
0x0: {  	(pc) =	sbr.rel $0x88, $3  }
0x1: {  	(tag) =	ssettag $0x0;
	lr =	simm.s32 $0x1  }
0x2: {  	[smem:$0x3F99] =	sst lr;
	_ =	strace $0xD0000000  }
0x3: {  	_ = 	snop  }
0x4: {  	_ = 	snop  }
0x5: {  	_ = 	snop  }
0x6: {  	_ = 	snop  }
0x7: {  	_ = 	snop  }
__scs_overlays_trampoline_lowered:
0x8: {  	[smem:$0x3FA8] =	sst s0  }
0x9: {  	[smem:$0x3FA9] =	sst s1  }
0xa: {  	[smem:$0x3FAA] =	sst s2  }
0xb: {  	[smem:$0x3FAB] =	sst s3  }
0xc: {  	[smem:$0x3FAC] =	sst s4  }
0xd: {  	[smem:$0x3FAD] =	sst s5  }
0xe: {  	[smem:$0x3FAE] =	sst s6  }
0xf: {  	[smem:$0x3FAF] =	sst s7  }
0x10: {  	[smem:$0x3FB0] =	sst s8  }
0x11: {  	[smem:$0x3FB1] =	sst s9;
	s0 =	simm.s32 @!p0 $0x0  }
0x12: {  	s1 =	sld [smem:$0x3F97];
	s0 =	simm.s32 @p0 $0x1  }
0x13: {  	[smem:$0x3FB2] =	sst s0;
	s0 =	simm.s32 @!p1 $0x0  }
0x14: {  	s2 =	sld [smem:$0x3F96];
	s0 =	simm.s32 @p1 $0x1  }
0x15: {  	[smem:$0x3FB3] =	sst s0;
	s0 =	simm.s32 @!p2 $0x0  }
0x16: {  	s3 =	sld [smem:$0x3FDB];
	s0 =	simm.s32 @p2 $0x1  }
0x17: {  	s4 =	simm.s32 $0x1BF5;
	[smem:$0x3FB5] =	sst s0  }
0x18: {  	s0 =	sld [smem:$0x3F98];
	_ =	swait.ge [sflag:s4], $0x0  }
0x19: {  	s7 =	sld [smem:$0x3F99]  }
0x1a: {  	s8 =	sadd.s32 $0xFFFFE003, lr  }
0x1b: {  	s9 =	sadd.s32 $0xFFFFFEF7, lr;
	s5 =	simm.s32 $0xFFFFFFFF;
	p2 =	slt.u32 s8, $0xFFFFF086  }
0x1c: {  	p1 =	slt.u32 s9, $0xF7A;
	s5 =	simm.s32 @!p2 $0x0  }
0x1d: {  	s5 =	simm.s32 @p1 $0x1;
	p0 =	seq.s32 s7, s2  }
0x1e: {  	s7 =	smul.u32 @!p0 $0xF7A, s2;
	p2 =	seq.s32 @!p0 s5, $0x0  }
0x1f: {  	s9 =	smul.u32 $0xF7A, s1;
	s8 =	simm.s32 @!p0 $0x1BF5;
	p2 =	por !p2, p0  }
0x20: {  	[sflag:s8] =	ssyncset.s32 @!p0 $0xFFFFF086;
	s6 =	sadd.s32 @!p0 s3, s7;
	s7 =	simm.s32 @!p0 $0x108  }
0x21: {  	s3 =	sadd.s32 s3, s9;
	s6 =	sadd.s32 @!p0 $0x88, s6;
	s7 =	simm.s32 @p2 $0x1082  }
0x22: {  	[simem:s7], [sflag:s8] =	dma.local @!p0 [hbm:s6], $0xF7A  }
0x23: {  	s9 =	sor.u32 $0xD0000000, s2;
	s6 =	simm.s32 $0x108;
	_ =	swait.ge @!p0 [sflag:s8], $0x0  }
0x24: {  	s3 =	sadd.s32 $0x88, s3;
	s6 =	simm.s32 @!p1 $0x1082;
	[sflag:s4] =	ssyncset.s32 $0xFFFFF086  }
0x25: {  	[simem:s6], [sflag:s4] =	dma.local [hbm:s3], $0xF7A  }
0x26: {  	[smem:$0x3F99] =	sst s1;
	(tag) =	ssettag s2;
	_ =	strace s9  }
0x27: {  	s1 =	sld [smem:$0x3FA9]  }
0x28: {  	s2 =	sld [smem:$0x3FAA]  }
0x29: {  	s4 =	sld [smem:$0x3FAC]  }
0x2a: {  	p0 =	seq.s32 s5, $0x0;
	s5 =	sld [smem:$0x3FAD]  }
0x2b: {  	s6 =	sld [smem:$0x3FAE]  }
0x2c: {  	s7 =	sld [smem:$0x3FAF]  }
0x2d: {  	s3 =	simm.s32 $0x108;
	s8 =	sld [smem:$0x3FB0]  }
0x2e: {  	s3 =	simm.s32 @!p0 $0x1082;
	s9 =	sld [smem:$0x3FB1]  }
0x2f: {  	lr =	sadd.s32 s0, s3;
	s0 =	sld [smem:$0x3FA8]  }
0x30: {  	s3 =	sld [smem:$0x3FAB]  }
0x31: {  	[smem:$0x3FB4] =	sst s10  }
0x32: {  	s10 =	sld [smem:$0x3FB2];
	_ =	sdelay $0x3  }
0x33: {  	p0 =	seq.s32 s10, $0x1;
	s10 =	sld [smem:$0x3FB4];
	_ =	sdelay $0x3  }
0x34: {  	[smem:$0x3FB4] =	sst s10  }
0x35: {  	s10 =	sld [smem:$0x3FB3];
	_ =	sdelay $0x3  }
0x36: {  	p1 =	seq.s32 s10, $0x1;
	s10 =	sld [smem:$0x3FB4];
	_ =	sdelay $0x3  }
0x37: {  	[smem:$0x3FB4] =	sst s10  }
0x38: {  	s10 =	sld [smem:$0x3FB5]  }
0x39: {  	_ = 	snop;
	(pc) =	sbr.ind lr, $3  }
0x3a: {  	_ = 	snop  }
0x3b: {  	_ = 	snop  }
0x3c: {  	p2 =	seq.s32 s10, $0x1;
	s10 =	sld [smem:$0x3FB4]  }
0x3d: {  	_ =	shalt  }
0x3e: {  	_ =	shalt  }
0x3f: {  	_ =	shalt  }
0x40: {  	_ =	shalt  }
0x41: {  	_ =	shalt  }
0x42: {  	_ =	shalt  }
0x43: {  	_ =	shalt  }
0x44: {  	_ =	shalt  }
0x45: {  	_ =	shalt  }
0x46: {  	_ =	shalt  }
0x47: {  	_ =	shalt  }
0x48: {  	_ =	shalt  }
0x49: {  	_ =	shalt  }
0x4a: {  	_ =	shalt  }
0x4b: {  	_ =	shalt  }
0x4c: {  	_ =	shalt  }
0x4d: {  	_ =	shalt  }
0x4e: {  	_ =	shalt  }
0x4f: {  	_ =	shalt  }
0x50: {  	_ =	shalt  }
0x51: {  	_ =	shalt  }
0x52: {  	_ =	shalt  }
0x53: {  	_ =	shalt  }
0x54: {  	_ =	shalt  }
0x55: {  	_ =	shalt  }
0x56: {  	_ =	shalt  }
0x57: {  	_ =	shalt  }
0x58: {  	_ =	shalt  }
0x59: {  	_ =	shalt  }
0x5a: {  	_ =	shalt  }
0x5b: {  	_ =	shalt  }
0x5c: {  	_ =	shalt  }
0x5d: {  	_ =	shalt  }
0x5e: {  	_ =	shalt  }
0x5f: {  	_ =	shalt  }
0x60: {  	_ =	shalt  }
0x61: {  	_ =	shalt  }
0x62: {  	_ =	shalt  }
0x63: {  	_ =	shalt  }
0x64: {  	_ =	shalt  }
0x65: {  	_ =	shalt  }
0x66: {  	_ =	shalt  }
0x67: {  	_ =	shalt  }
0x68: {  	_ =	shalt  }
0x69: {  	_ =	shalt  }
0x6a: {  	_ =	shalt  }
0x6b: {  	_ =	shalt  }
0x6c: {  	_ =	shalt  }
0x6d: {  	_ =	shalt  }
0x6e: {  	_ =	shalt  }
0x6f: {  	_ =	shalt  }
0x70: {  	_ =	shalt  }
0x71: {  	_ =	shalt  }
0x72: {  	_ =	shalt  }
0x73: {  	_ =	shalt  }
0x74: {  	_ =	shalt  }
0x75: {  	_ =	shalt  }
0x76: {  	_ =	shalt  }
0x77: {  	_ =	shalt  }
0x78: {  	_ =	shalt  }
0x79: {  	_ =	shalt  }
0x7a: {  	_ =	shalt  }
0x7b: {  	_ =	shalt  }
0x7c: {  	_ =	shalt  }
0x7d: {  	_ =	shalt  }
0x7e: {  	_ =	shalt  }
0x7f: {  	_ =	shalt  }
0x80: {  	_ =	shalt  }
0x81: {  	_ =	shalt  }
0x82: {  	_ =	shalt  }
0x83: {  	_ =	shalt  }
0x84: {  	_ =	shalt  }
0x85: {  	_ =	shalt  }
0x86: {  	_ =	shalt  }
0x87: {  	_ =	shalt  }
.Lfunc_end0:
.L_simem_size_0:
called_computation_lowered:
.L_overlay_start_0:
0x88: {  	s2 =	sld [smem:$0x3FD9]  }
0x89: {  	s3 =	sld [smem:$0x3FFE];
	_ =	sdelay $0x1  }
0x8a: {  	s1 =	srdreg.scid  }
0x8b: {  	s0 =	sand.u32 $0x1, s1  }
0x8c: {  	s17 =	sshll.u32 s0, $0xA;
	s2 =	sadd.s32 s3, s2  }
0x8d: {  	s2 =	sadd.s32 s2, s17  }
0x8e: {  	[smem:$0x3FC0] =	sst s2  }
0x8f: {  	_ = 	snop  }
0x90: {  	s2 =	sld [smem:$0x3FD0];
	(tm) =	ssettm $0x1  }
0x91: {  	s18 =	sld [smem:$0x3FFB];
	_ =	sdelay $0x3  }
0x92: {  	_ =	strace s18  }
0x93: {  	s3 =	sld [smem:$0x3FFC];
	_ =	sdelay $0x3  }
0x94: {  	_ =	strace s3  }
0x95: {  	s3 =	sld [smem:$0x3FFD];
	_ =	sdelay $0x3  }
0x96: {  	_ =	strace s3  }
0x97: {  	_ =	strace $0x8FFFFFFF  }
0x98: {  	s19 =	sld [smem:$0x3FDB];
	_ =	sdelay $0x1  }
0x99: {  	s4 =	simm.s32 $_scs_section_size  }
0x9a: {  	s5 =	simm.s32 $_size__tile_overlayer_lowered;
	s6 =	simm.s32 $_tile_overlayer_lowered  }
0x9b: {  	s22 =	simm.s32 $0x1BFF;
	s21 =	sshll.u32 s6, $0x1;
	s3 =	sadd.s32 s4, s19  }
0x9c: {  	s7 =	simm.s32 $0x0;
	s20 =	sshll.u32 s5, $0x1;
	s5 =	sadd.s32 s21, s3  }
0x9d: {  	[timem:s7], [sflag:s22] =	dma.local [hbm:s5], s20  }
0x9e: {  	_ =	swait.ge [sflag:s22], s20  }
0x9f: {  	s4 =	ssub.s32 $0x0, s20;
	[sflag:s22] =	ssyncset.done $0x0  }
0xa0: {  	[sflag:s22] =	ssyncadd.s32 s4;
	_ =	sdelay $0x1  }
0xa1: {  	s23 =	simm.s32 $0x1B8B  }
0xa2: {  	_ =	swait.ge [sflag:s23], $0x1  }
0xa3: {  	[sflag:s23] =	ssyncset.done $0x0  }
0xa4: {  	s25 =	simm.s32 $0x1B8E;
	s24 =	sld [smem:$0x3FFE];
	[sflag:s23] =	ssyncadd.s32 $0xFFFFFFFF  }
0xa5: {  	s26 =	simm.s32 $execute0_lowered;
	[smem:$0x3FD2] =	sst s25  }
0xa6: {  	s5 =	sshll.u32 s26, $0x1;
	_ =	strace $0x80000046;
	[dreg:$0x1] =	wrdreg $0xFFFFFFFF  }
0xa7: {  	s28 =	simm.s32 $_size_execute0_lowered;
	s3 =	sadd.s32 s3, s5;
	[dreg:$0x0] =	wrdreg $0x0  }
0xa8: {  	s5 =	sshll.u32 s28, $0x1;
	[dreg:$0x2] =	wrdreg s3  }
0xa9: {  	[dreg:$0x3] =	wrdreg s5  }
0xaa: {  	[dreg:$0x4] =	wrdreg $0xC0  }
0xab: {  	_ =	task [dreg:s7], $0x5FFFF  }
0xac: {  	[dreg:$0x1] =	wrdreg $0xFFFFFFFF  }
0xad: {  	[dreg:$0x0] =	wrdreg $0x60  }
0xae: {  	[dreg:$0x2] =	wrdreg s2  }
0xaf: {  	[dreg:$0x3] =	wrdreg s24  }
0xb0: {  	[dreg:$0x4] =	wrdreg $0x90000  }
0xb1: {  	[dreg:$0x5] =	wrdreg $0x9  }
0xb2: {  	_ =	task.clear_ibuf [dreg:s7], $0x6FFFF;
	_ =	strace $0x90000046  }
0xb3: {  	s29 =	simm.s32 $0x9;
	_ =	strace $0x80000048  }
0xb4: {  	_ =	swait.ge [sflag:s29], $0x1  }
0xb5: {  	[sflag:s29] =	ssyncadd.s32 $0xFFFFFFFF  }
0xb6: {  	_ =	strace $0x90000048  }
0xb7: {  	_ =	sfence  }
0xb8: {  	s30 =	sld [smem:$0x0];
	_ =	sdelay $0x2  }
0xb9: {  	s31 =	sshll.u32 s1, $0xD;
	s1 =	sshrl.u32 s1, $0x2  }
0xba: {  	s3 =	sand.u32 $0x4000, s31;
	s1 =	sadd.s32 s1, s30  }
0xbb: {  	s0 =	sor.u32 s3, s0;
	s1 =	sshll.u32 s1, $0x11  }
0xbc: {  	s0 =	sor.u32 s1, s0  }
0xbd: {  	s0 =	sadd.s32 $0x8F2B, s0  }
0xbe: {  	[sflag:s0] =	ssyncadd.remote.s32 $0x1  }
0xbf: {  	_ =	sfence.sel $0xFFFF  }
0xc0: {  	[dreg:$0x0] =	wrdreg $0xFFFFFFFF;
	(pc) =	sbr.abs _section_cstart, $3  }
0xc1: {  	[dreg:$0x1] =	wrdreg $0xFFFFFFFF  }
0xc2: {  	_ =	task.clear_ibuf [dreg:s7], $0x2FFFF;
	_ =	strace $0x9FFFFFFF  }
0xc3: {  	(tm) =	ssettm $0x7FFFFFFF  }
tec
execute0_lowered:
.L_overlay_start_1:
0x0: {  	(tag) =	ssettag $0x1  }
0x1: {  	s1 =	rddreg [dreg:$0x0]  }
0x2: {  	s6 =	rddreg [dreg:$0x1]  }
0x3: {  	s3 =	rddreg [dreg:$0x2]  }
0x4: {  	s0 =	rddreg [dreg:$0x3];
	s4 =	simm.s32 $0x0;
	s2 =	stileid.u32  }
0x5: {  	s7 =	srdreg.scid;
	s13 =	simm.s32 $0x2800;
	s16 =	simm.s32 $0x80  }
0x6: {  	s17 =	simm.s32 $0x5000;
	s18 =	simm.s32 $0x1;
	s19 =	simm.s32 $0x0  }
0x7: {  	[smem:$0x7FF] =	sst s4;
	s5 =	smul.u32 $0x500, s2;
	s10 =	sand.u32 $0x1, s7  }
0x8: {  	s11 =	smul.u32 $0x50000, s2;
	s14 =	sshll.u32 s2, $0x6;
	_ =	strace $0x80000047  }
0x9: {  	s7 =	ssub.s32 $0x2, s10;
	p0 =	seq.s32 s10, $0x1;
	s14 =	sor.u32 $0x1C02, s14  }
.Ltmp0:
0xa: {  	s9 =	sadd.s32 s5, s6;
	s5 =	sadd.s32 $0x36C00, s6;
	(pc) =	sbr.rel .LBB2_1-.Ltmp0, $4  }
0xb: {  	s6 =	sadd.s32 $0xEC00, s6;
	s8 =	sshrl.u32 s7, $0x1;
	s31 =	sshrl.u32 s11, $0x2  }
0xc: {  	s12 =	ssub.s32 s7, s8;
	s7 =	sadd.s32 $0x9C00, s9;
	s8 =	smul.u32 $0x2800, s2  }
0xd: {  	s9 =	sadd.s32 $0x4C00, s9;
	s15 =	sadd.s32 s31, s3;
	s11 =	smax.u32 s12, $0x1  }
0xe: {  	s12 =	simm.s32 $0x2;
	s15 =	sshrl.u32 s15, $0x3;
	s10 =	sadd.s32 s1, s8  }
.LBB2_7:
0xf: {  	s20 =	sshra.s32 s20, $0x2;
	[sflag:s12] =	ssyncadd.s32 $0xFFFFC000  }
0x10: {  	[tilespmem:s17], [sflag:$0x1] =	stream.indirect.gather [hbm4b:s1+s16], $0x80, s20, s16, $0xb8;
	[tilespmem:$0x1D000] =	vst v63  }
0x11: {  	_ =	swait.ge [sflag:s18], $0x4000  }
0x12: {  	[sflag:s18] =	ssyncset.done $0x0  }
0x13: {  	s20 =	sadd.s32 $0x2800, s20;
	[sflag:s18] =	ssyncadd.s32 $0xFFFFC000  }
0x14: {  	[spmem:s3] =	stream.indirect.scatter.add.f32 [tilespmem:s17], [sflag:$0x2], $0x80, s20, s16, $0xb8;
	[tilespmem:$0x1D000] =	vst v63  }
0x15: {  	_ =	swait.ge [sflag:s12], $0x4000  }
0x16: {  	[sflag:s12] =	ssyncset.done $0x0  }
0x17: {  	s20 =	smov.u32 s6;
	[sflag:s12] =	ssyncadd.s32 $0xFFFFC000  }
.LBB2_8:
0x18: {  	s19 =	sadd.s32 $0x1, s19  }
0x19: {  	p1 =	sne.s32 s19, s11  }
.Ltmp1:
0x1a: {  	s20 =	sadd.s32 s20, s8;
	[bflag:$0x0] =	sbarrier.arrive $0xFFFF;
	(pc) =	sbr.rel @!p1 .LBB2_9-.Ltmp1, $4  }
0x1b: {  	[hbm:s20], [sflag:s14] =	dma.local [spmem:s15], $0x2800  }
0x1c: {  	_ =	swait.ge [sflag:s12], $0x2800  }
0x1d: {  	[sflag:s12] =	ssyncset.done $0x0  }
0x1e: {  	[sflag:s12] =	ssyncadd.s32 $0xFFFFD800  }
.LBB2_1:
0x1f: {  	[tilespmem:s4], [sflag:$0x2] =	stream.linear.gather [hbm4b:s7+s4], $0x2800, $0x38;
	[tilespmem:$0x1D000] =	vst v63  }
0x20: {  	_ =	swait.ge [sflag:s12], $0x2800  }
0x21: {  	[sflag:s12] =	ssyncset.done $0x0  }
0x22: {  	[sflag:s12] =	ssyncadd.s32 $0xFFFFD800  }
0x23: {  	[tilespmem:s13], [sflag:$0x2] =	stream.linear.gather [hbm4b:s9+s4], $0x2800, $0x38;
	[tilespmem:$0x1D000] =	vst v63  }
0x24: {  	_ =	swait.ge [sflag:s12], $0x2800  }
0x25: {  	[sflag:s12] =	ssyncset.done $0x0  }
0x26: {  	[sflag:s12] =	ssyncadd.s32 $0xFFFFD800  }
0x27: {  	[spmem:s15], [sflag:s14] =	dma.local [hbm:s10], $0x2800  }
.Ltmp2:
0x28: {  	_ =	swait.ge [sflag:s12], $0x2800;
	(pc) =	sbr.rel @!p0 .LBB2_2-.Ltmp2, $4  }
0x29: {  	[sflag:s12] =	ssyncset.done $0x0  }
0x2a: {  	[sflag:s12] =	ssyncadd.s32 $0xFFFFD800  }
0x2b: {  	[bflag:$0x0] =	sbarrier.arrive $0xFFFF  }
0x2c: {  	s20 =	simm.s32 $0x0  }
0x2d: {  	[tilespmem:s17], [sflag:$0x1] =	stream.indirect.gather [hbm4b:s1+s16], $0x80, s20, s16, $0xb8;
	[tilespmem:$0x1D000] =	vst v63  }
0x2e: {  	_ =	swait.ge [sflag:s18], $0x4000  }
0x2f: {  	[sflag:s18] =	ssyncset.done $0x0  }
0x30: {  	s31 =	simm.s32 $0x2800;
	[sflag:s18] =	ssyncadd.s32 $0xFFFFC000  }
0x31: {  	[spmem:s3] =	stream.indirect.scatter.add.f32 [tilespmem:s17], [sflag:$0x2], $0x80, s31, s16, $0xb8;
	[tilespmem:$0x1D000] =	vst v63  }
0x32: {  	_ =	swait.ge [sflag:s12], $0x4000  }
0x33: {  	s20 =	simm.s32 $0x200;
	s21 =	simm.s32 $0x400;
	[sflag:s12] =	ssyncset.done $0x0  }
.LBB2_6:
0x34: {  	s22 =	sshra.s32 s20, $0x2  }
0x35: {  	[sflag:s12] =	ssyncadd.s32 $0xFFFFC000;
	s20 =	smov.u32 s21;
	s23 =	sadd.s32 $0x200, s21  }
0x36: {  	[tilespmem:s17], [sflag:$0x1] =	stream.indirect.gather [hbm4b:s1+s16], $0x80, s22, s16, $0xb8;
	[tilespmem:$0x1D000] =	vst v63  }
0x37: {  	p1 =	sne.s32 s21, $0x9E00;
	_ =	swait.ge [sflag:s18], $0x4000  }
.Ltmp3:
0x38: {  	[sflag:s18] =	ssyncset.done $0x0;
	(pc) =	sbr.rel @p1 .LBB2_6-.Ltmp3, $4  }
0x39: {  	s21 =	sadd.s32 $0x2800, s22;
	[sflag:s18] =	ssyncadd.s32 $0xFFFFC000  }
0x3a: {  	[spmem:s3] =	stream.indirect.scatter.add.f32 [tilespmem:s17], [sflag:$0x2], $0x80, s21, s16, $0xb8;
	[tilespmem:$0x1D000] =	vst v63  }
0x3b: {  	_ =	swait.ge [sflag:s12], $0x4000  }
0x3c: {  	s21 =	smov.u32 s23;
	[sflag:s12] =	ssyncset.done $0x0  }
.Ltmp4:
0x3d: {  	_ = 	snop;
	(pc) =	sbr.rel .LBB2_7-.Ltmp4, $1  }
0x3e: {  	_ =	sdelay $0x3  }
.LBB2_2:
0x3f: {  	[tilespmem:s17], [sflag:$0x1] =	stream.indirect.gather [hbm4b:s1+s16], $0x80, s20, s16, $0xb8;
	[tilespmem:$0x1D000] =	vst v63  }
0x40: {  	_ =	swait.ge [sflag:s18], $0x4000  }
0x41: {  	[sflag:s18] =	ssyncset.done $0x0  }
0x42: {  	s31 =	simm.s32 $0x2800;
	[sflag:s18] =	ssyncadd.s32 $0xFFFFC000  }
0x43: {  	[spmem:s3] =	stream.indirect.scatter.add.f32 [tilespmem:s17], [sflag:$0x2], $0x80, s31, s16, $0xb8;
	[tilespmem:$0x1D000] =	vst v63  }
0x44: {  	_ =	swait.ge [sflag:s12], $0x4000  }
0x45: {  	s20 =	simm.s32 $0x200;
	s21 =	simm.s32 $0x400;
	[sflag:s12] =	ssyncset.done $0x0  }
.LBB2_3:
0x46: {  	s22 =	sshra.s32 s20, $0x2  }
0x47: {  	[sflag:s12] =	ssyncadd.s32 $0xFFFFC000;
	s20 =	smov.u32 s21;
	s23 =	sadd.s32 $0x200, s21  }
0x48: {  	[tilespmem:s17], [sflag:$0x1] =	stream.indirect.gather [hbm4b:s1+s16], $0x80, s22, s16, $0xb8;
	[tilespmem:$0x1D000] =	vst v63  }
0x49: {  	p1 =	seq.s32 s21, $0x9E00;
	_ =	swait.ge [sflag:s18], $0x4000  }
.Ltmp5:
0x4a: {  	[sflag:s18] =	ssyncset.done $0x0;
	(pc) =	sbr.rel @!p1 .LBB2_3-.Ltmp5, $4  }
0x4b: {  	s21 =	sadd.s32 $0x2800, s22;
	[sflag:s18] =	ssyncadd.s32 $0xFFFFC000  }
0x4c: {  	[spmem:s3] =	stream.indirect.scatter.add.f32 [tilespmem:s17], [sflag:$0x2], $0x80, s21, s16, $0xb8;
	[tilespmem:$0x1D000] =	vst v63  }
0x4d: {  	_ =	swait.ge [sflag:s12], $0x4000  }
0x4e: {  	s21 =	smov.u32 s23;
	[sflag:s12] =	ssyncset.done $0x0  }
0x4f: {  	s20 =	sshra.s32 s20, $0x2;
	[sflag:s12] =	ssyncadd.s32 $0xFFFFC000  }
0x50: {  	[tilespmem:s17], [sflag:$0x1] =	stream.indirect.gather [hbm4b:s1+s16], $0x80, s20, s16, $0xb8;
	[tilespmem:$0x1D000] =	vst v63  }
0x51: {  	_ =	swait.ge [sflag:s18], $0x4000  }
0x52: {  	[sflag:s18] =	ssyncset.done $0x0  }
.Ltmp6:
0x53: {  	s20 =	sadd.s32 $0x2800, s20;
	[sflag:s18] =	ssyncadd.s32 $0xFFFFC000;
	(pc) =	sbr.rel .LBB2_8-.Ltmp6, $4  }
0x54: {  	[spmem:s3] =	stream.indirect.scatter.add.f32 [tilespmem:s17], [sflag:$0x2], $0x80, s20, s16, $0xb8;
	[tilespmem:$0x1D000] =	vst v63  }
0x55: {  	_ =	swait.ge [sflag:s12], $0x4000  }
0x56: {  	[sflag:s12] =	ssyncset.done $0x0  }
0x57: {  	s20 =	smov.u32 s5;
	[sflag:s12] =	ssyncadd.s32 $0xFFFFC000  }
.LBB2_9:
0x58: {  	_ =	sfence.sel $0x180000  }
0x59: {  	[bflag:$0x0] =	sbarrier.arrive $0xFFFF  }
0x5a: {  	p0 =	sne.s32 s2, $0x0;
	_ =	strace $0x90000047  }
0x5b: {  	s0 =	sadd.s32 @!p0 $0x100000, s0;
	[bflag:$0x2] =	sbarrier.arrive $0xFFFF  }
0x5c: {  	[sflag:s0] =	ssyncadd.tile.s32 @!p0 $0x1;
	_ =	shalt  }
.Lfunc_end2:
_tile_overlayer_lowered:
.L_overlay_start_2:
0x5d: {  	(tag) =	ssettag $0x2  }
0x5e: {  	s0 =	rddreg [dreg:$0x0];
	s2 =	stileid.u32  }
0x5f: {  	s1 =	rddreg [dreg:$0x1];
	p0 =	sne.s32 s2, $0x0  }
0x60: {  	s3 =	rddreg [dreg:$0x2];
	[bflag:$0x3] =	sbarrier.arrive $0xFFFF;
	s2 =	simm.s32 @!p0 $0x1C02  }
0x61: {  	[timem:s3], [sflag:s2] =	dma.local @!p0 [hbm:s0], s1  }
0x62: {  	s0 =	simm.s32 @!p0 $0x2  }
0x63: {  	_ =	swait.ge @!p0 [sflag:s0], s1  }
0x64: {  	s1 =	ssub.s32 @!p0 $0x0, s1;
	[sflag:s0] =	ssyncset.done @!p0 $0x0  }
0x65: {  	[sflag:s0] =	ssyncadd.s32 @!p0 s1  }
0x66: {  	[bflag:$0x3] =	sbarrier.arrive $0xFFFF  }
0x67: {  	_ =	shalt  }

// kernel: kernel.13.cloned.1.call-start
scs
__scs_entry_jumppad:
0x0: {  	(pc) =	sbr.rel $0x88, $3  }
0x1: {  	(tag) =	ssettag $0x0;
	lr =	simm.s32 $0x1  }
0x2: {  	[smem:$0x3F99] =	sst lr;
	_ =	strace $0xD0000000  }
0x3: {  	_ = 	snop  }
0x4: {  	_ = 	snop  }
0x5: {  	_ = 	snop  }
0x6: {  	_ = 	snop  }
0x7: {  	_ = 	snop  }
__scs_overlays_trampoline_lowered:
0x8: {  	[smem:$0x3FA8] =	sst s0  }
0x9: {  	[smem:$0x3FA9] =	sst s1  }
0xa: {  	[smem:$0x3FAA] =	sst s2  }
0xb: {  	[smem:$0x3FAB] =	sst s3  }
0xc: {  	[smem:$0x3FAC] =	sst s4  }
0xd: {  	[smem:$0x3FAD] =	sst s5  }
0xe: {  	[smem:$0x3FAE] =	sst s6  }
0xf: {  	[smem:$0x3FAF] =	sst s7  }
0x10: {  	[smem:$0x3FB0] =	sst s8  }
0x11: {  	[smem:$0x3FB1] =	sst s9;
	s0 =	simm.s32 @!p0 $0x0  }
0x12: {  	s1 =	sld [smem:$0x3F97];
	s0 =	simm.s32 @p0 $0x1  }
0x13: {  	[smem:$0x3FB2] =	sst s0;
	s0 =	simm.s32 @!p1 $0x0  }
0x14: {  	s2 =	sld [smem:$0x3F96];
	s0 =	simm.s32 @p1 $0x1  }
0x15: {  	[smem:$0x3FB3] =	sst s0;
	s0 =	simm.s32 @!p2 $0x0  }
0x16: {  	s3 =	sld [smem:$0x3FDB];
	s0 =	simm.s32 @p2 $0x1  }
0x17: {  	s4 =	simm.s32 $0x1BF5;
	[smem:$0x3FB5] =	sst s0  }
0x18: {  	s0 =	sld [smem:$0x3F98];
	_ =	swait.ge [sflag:s4], $0x0  }
0x19: {  	s7 =	sld [smem:$0x3F99]  }
0x1a: {  	s8 =	sadd.s32 $0xFFFFE003, lr  }
0x1b: {  	s9 =	sadd.s32 $0xFFFFFEF7, lr;
	s5 =	simm.s32 $0xFFFFFFFF;
	p2 =	slt.u32 s8, $0xFFFFF086  }
0x1c: {  	p1 =	slt.u32 s9, $0xF7A;
	s5 =	simm.s32 @!p2 $0x0  }
0x1d: {  	s5 =	simm.s32 @p1 $0x1;
	p0 =	seq.s32 s7, s2  }
0x1e: {  	s7 =	smul.u32 @!p0 $0xF7A, s2;
	p2 =	seq.s32 @!p0 s5, $0x0  }
0x1f: {  	s9 =	smul.u32 $0xF7A, s1;
	s8 =	simm.s32 @!p0 $0x1BF5;
	p2 =	por !p2, p0  }
0x20: {  	[sflag:s8] =	ssyncset.s32 @!p0 $0xFFFFF086;
	s6 =	sadd.s32 @!p0 s3, s7;
	s7 =	simm.s32 @!p0 $0x108  }
0x21: {  	s3 =	sadd.s32 s3, s9;
	s6 =	sadd.s32 @!p0 $0x88, s6;
	s7 =	simm.s32 @p2 $0x1082  }
0x22: {  	[simem:s7], [sflag:s8] =	dma.local @!p0 [hbm:s6], $0xF7A  }
0x23: {  	s9 =	sor.u32 $0xD0000000, s2;
	s6 =	simm.s32 $0x108;
	_ =	swait.ge @!p0 [sflag:s8], $0x0  }
0x24: {  	s3 =	sadd.s32 $0x88, s3;
	s6 =	simm.s32 @!p1 $0x1082;
	[sflag:s4] =	ssyncset.s32 $0xFFFFF086  }
0x25: {  	[simem:s6], [sflag:s4] =	dma.local [hbm:s3], $0xF7A  }
0x26: {  	[smem:$0x3F99] =	sst s1;
	(tag) =	ssettag s2;
	_ =	strace s9  }
0x27: {  	s1 =	sld [smem:$0x3FA9]  }
0x28: {  	s2 =	sld [smem:$0x3FAA]  }
0x29: {  	s4 =	sld [smem:$0x3FAC]  }
0x2a: {  	p0 =	seq.s32 s5, $0x0;
	s5 =	sld [smem:$0x3FAD]  }
0x2b: {  	s6 =	sld [smem:$0x3FAE]  }
0x2c: {  	s7 =	sld [smem:$0x3FAF]  }
0x2d: {  	s3 =	simm.s32 $0x108;
	s8 =	sld [smem:$0x3FB0]  }
0x2e: {  	s3 =	simm.s32 @!p0 $0x1082;
	s9 =	sld [smem:$0x3FB1]  }
0x2f: {  	lr =	sadd.s32 s0, s3;
	s0 =	sld [smem:$0x3FA8]  }
0x30: {  	s3 =	sld [smem:$0x3FAB]  }
0x31: {  	[smem:$0x3FB4] =	sst s10  }
0x32: {  	s10 =	sld [smem:$0x3FB2];
	_ =	sdelay $0x3  }
0x33: {  	p0 =	seq.s32 s10, $0x1;
	s10 =	sld [smem:$0x3FB4];
	_ =	sdelay $0x3  }
0x34: {  	[smem:$0x3FB4] =	sst s10  }
0x35: {  	s10 =	sld [smem:$0x3FB3];
	_ =	sdelay $0x3  }
0x36: {  	p1 =	seq.s32 s10, $0x1;
	s10 =	sld [smem:$0x3FB4];
	_ =	sdelay $0x3  }
0x37: {  	[smem:$0x3FB4] =	sst s10  }
0x38: {  	s10 =	sld [smem:$0x3FB5]  }
0x39: {  	_ = 	snop;
	(pc) =	sbr.ind lr, $3  }
0x3a: {  	_ = 	snop  }
0x3b: {  	_ = 	snop  }
0x3c: {  	p2 =	seq.s32 s10, $0x1;
	s10 =	sld [smem:$0x3FB4]  }
0x3d: {  	_ =	shalt  }
0x3e: {  	_ =	shalt  }
0x3f: {  	_ =	shalt  }
0x40: {  	_ =	shalt  }
0x41: {  	_ =	shalt  }
0x42: {  	_ =	shalt  }
0x43: {  	_ =	shalt  }
0x44: {  	_ =	shalt  }
0x45: {  	_ =	shalt  }
0x46: {  	_ =	shalt  }
0x47: {  	_ =	shalt  }
0x48: {  	_ =	shalt  }
0x49: {  	_ =	shalt  }
0x4a: {  	_ =	shalt  }
0x4b: {  	_ =	shalt  }
0x4c: {  	_ =	shalt  }
0x4d: {  	_ =	shalt  }
0x4e: {  	_ =	shalt  }
0x4f: {  	_ =	shalt  }
0x50: {  	_ =	shalt  }
0x51: {  	_ =	shalt  }
0x52: {  	_ =	shalt  }
0x53: {  	_ =	shalt  }
0x54: {  	_ =	shalt  }
0x55: {  	_ =	shalt  }
0x56: {  	_ =	shalt  }
0x57: {  	_ =	shalt  }
0x58: {  	_ =	shalt  }
0x59: {  	_ =	shalt  }
0x5a: {  	_ =	shalt  }
0x5b: {  	_ =	shalt  }
0x5c: {  	_ =	shalt  }
0x5d: {  	_ =	shalt  }
0x5e: {  	_ =	shalt  }
0x5f: {  	_ =	shalt  }
0x60: {  	_ =	shalt  }
0x61: {  	_ =	shalt  }
0x62: {  	_ =	shalt  }
0x63: {  	_ =	shalt  }
0x64: {  	_ =	shalt  }
0x65: {  	_ =	shalt  }
0x66: {  	_ =	shalt  }
0x67: {  	_ =	shalt  }
0x68: {  	_ =	shalt  }
0x69: {  	_ =	shalt  }
0x6a: {  	_ =	shalt  }
0x6b: {  	_ =	shalt  }
0x6c: {  	_ =	shalt  }
0x6d: {  	_ =	shalt  }
0x6e: {  	_ =	shalt  }
0x6f: {  	_ =	shalt  }
0x70: {  	_ =	shalt  }
0x71: {  	_ =	shalt  }
0x72: {  	_ =	shalt  }
0x73: {  	_ =	shalt  }
0x74: {  	_ =	shalt  }
0x75: {  	_ =	shalt  }
0x76: {  	_ =	shalt  }
0x77: {  	_ =	shalt  }
0x78: {  	_ =	shalt  }
0x79: {  	_ =	shalt  }
0x7a: {  	_ =	shalt  }
0x7b: {  	_ =	shalt  }
0x7c: {  	_ =	shalt  }
0x7d: {  	_ =	shalt  }
0x7e: {  	_ =	shalt  }
0x7f: {  	_ =	shalt  }
0x80: {  	_ =	shalt  }
0x81: {  	_ =	shalt  }
0x82: {  	_ =	shalt  }
0x83: {  	_ =	shalt  }
0x84: {  	_ =	shalt  }
0x85: {  	_ =	shalt  }
0x86: {  	_ =	shalt  }
0x87: {  	_ =	shalt  }
.Lfunc_end0:
.L_simem_size_0:
called_computation.1_lowered:
.L_overlay_start_0:
0x88: {  	s2 =	sld [smem:$0x3FD9]  }
0x89: {  	s3 =	sld [smem:$0x3FFE];
	_ =	sdelay $0x1  }
0x8a: {  	s1 =	srdreg.scid  }
0x8b: {  	s0 =	sand.u32 $0x1, s1  }
0x8c: {  	s17 =	sshll.u32 s0, $0xA;
	s2 =	sadd.s32 s3, s2  }
0x8d: {  	s2 =	sadd.s32 s2, s17  }
0x8e: {  	[smem:$0x3FC0] =	sst s2  }
0x8f: {  	_ = 	snop  }
0x90: {  	s2 =	sld [smem:$0x3FD0];
	(tm) =	ssettm $0x1  }
0x91: {  	s18 =	sld [smem:$0x3FFB];
	_ =	sdelay $0x3  }
0x92: {  	_ =	strace s18  }
0x93: {  	s3 =	sld [smem:$0x3FFC];
	_ =	sdelay $0x3  }
0x94: {  	_ =	strace s3  }
0x95: {  	s3 =	sld [smem:$0x3FFD];
	_ =	sdelay $0x3  }
0x96: {  	_ =	strace s3  }
0x97: {  	_ =	strace $0x8FFFFFFF  }
0x98: {  	s19 =	sld [smem:$0x3FDB];
	_ =	sdelay $0x1  }
0x99: {  	s4 =	simm.s32 $_scs_section_size  }
0x9a: {  	s5 =	simm.s32 $_size__tile_overlayer_lowered;
	s6 =	simm.s32 $_tile_overlayer_lowered  }
0x9b: {  	s22 =	simm.s32 $0x1BFF;
	s21 =	sshll.u32 s6, $0x1;
	s3 =	sadd.s32 s4, s19  }
0x9c: {  	s7 =	simm.s32 $0x0;
	s20 =	sshll.u32 s5, $0x1;
	s5 =	sadd.s32 s21, s3  }
0x9d: {  	[timem:s7], [sflag:s22] =	dma.local [hbm:s5], s20  }
0x9e: {  	_ =	swait.ge [sflag:s22], s20  }
0x9f: {  	s4 =	ssub.s32 $0x0, s20;
	[sflag:s22] =	ssyncset.done $0x0  }
0xa0: {  	[sflag:s22] =	ssyncadd.s32 s4;
	_ =	sdelay $0x1  }
0xa1: {  	s23 =	simm.s32 $0x1B8B  }
0xa2: {  	_ =	swait.ge [sflag:s23], $0x1  }
0xa3: {  	[sflag:s23] =	ssyncset.done $0x0  }
0xa4: {  	s25 =	simm.s32 $0x1B8E;
	s24 =	sld [smem:$0x3FFE];
	[sflag:s23] =	ssyncadd.s32 $0xFFFFFFFF  }
0xa5: {  	s26 =	simm.s32 $execute0_lowered;
	[smem:$0x3FD2] =	sst s25  }
0xa6: {  	s5 =	sshll.u32 s26, $0x1;
	_ =	strace $0x80000049;
	[dreg:$0x1] =	wrdreg $0xFFFFFFFF  }
0xa7: {  	s28 =	simm.s32 $_size_execute0_lowered;
	s3 =	sadd.s32 s3, s5;
	[dreg:$0x0] =	wrdreg $0x0  }
0xa8: {  	s5 =	sshll.u32 s28, $0x1;
	[dreg:$0x2] =	wrdreg s3  }
0xa9: {  	[dreg:$0x3] =	wrdreg s5  }
0xaa: {  	[dreg:$0x4] =	wrdreg $0xC0  }
0xab: {  	_ =	task [dreg:s7], $0x5FFFF  }
0xac: {  	[dreg:$0x1] =	wrdreg $0xFFFFFFFF  }
0xad: {  	[dreg:$0x0] =	wrdreg $0x60  }
0xae: {  	[dreg:$0x2] =	wrdreg s2  }
0xaf: {  	[dreg:$0x3] =	wrdreg s24  }
0xb0: {  	[dreg:$0x4] =	wrdreg $0x90000  }
0xb1: {  	[dreg:$0x5] =	wrdreg $0x9  }
0xb2: {  	_ =	task.clear_ibuf [dreg:s7], $0x6FFFF;
	_ =	strace $0x90000049  }
0xb3: {  	s29 =	simm.s32 $0x9;
	_ =	strace $0x8000004B  }
0xb4: {  	_ =	swait.ge [sflag:s29], $0x1  }
0xb5: {  	[sflag:s29] =	ssyncadd.s32 $0xFFFFFFFF  }
0xb6: {  	_ =	strace $0x9000004B  }
0xb7: {  	_ =	sfence  }
0xb8: {  	s30 =	sld [smem:$0x0];
	_ =	sdelay $0x2  }
0xb9: {  	s31 =	sshll.u32 s1, $0xD;
	s1 =	sshrl.u32 s1, $0x2  }
0xba: {  	s3 =	sand.u32 $0x4000, s31;
	s1 =	sadd.s32 s1, s30  }
0xbb: {  	s0 =	sor.u32 s3, s0;
	s1 =	sshll.u32 s1, $0x11  }
0xbc: {  	s0 =	sor.u32 s1, s0  }
0xbd: {  	s0 =	sadd.s32 $0x8F2B, s0  }
0xbe: {  	[sflag:s0] =	ssyncadd.remote.s32 $0x1  }
0xbf: {  	_ =	sfence.sel $0xFFFF  }
0xc0: {  	[dreg:$0x0] =	wrdreg $0xFFFFFFFF;
	(pc) =	sbr.abs _section_cstart, $3  }
0xc1: {  	[dreg:$0x1] =	wrdreg $0xFFFFFFFF  }
0xc2: {  	_ =	task.clear_ibuf [dreg:s7], $0x2FFFF;
	_ =	strace $0x9FFFFFFF  }
0xc3: {  	(tm) =	ssettm $0x7FFFFFFF  }
tec
execute0_lowered:
.L_overlay_start_1:
0x0: {  	(tag) =	ssettag $0x1  }
0x1: {  	s1 =	rddreg [dreg:$0x0]  }
0x2: {  	s7 =	rddreg [dreg:$0x1]  }
0x3: {  	s3 =	rddreg [dreg:$0x2]  }
0x4: {  	s0 =	rddreg [dreg:$0x3];
	s4 =	simm.s32 $0x0  }
0x5: {  	s2 =	stileid.u32;
	s5 =	srdreg.scid;
	s14 =	simm.s32 $0x2  }
0x6: {  	s15 =	simm.s32 $0x2800;
	s18 =	simm.s32 $0x80;
	s19 =	simm.s32 $0x5000  }
0x7: {  	s20 =	simm.s32 $0x1;
	s21 =	simm.s32 $0x0;
	[smem:$0x7FF] =	sst s4  }
0x8: {  	s6 =	smul.u32 $0x500, s2;
	s11 =	sand.u32 $0x1, s5;
	s5 =	sadd.s32 $0x9C00, s7  }
0x9: {  	s12 =	smul.u32 $0x50000, s2;
	s16 =	sshll.u32 s2, $0x6;
	_ =	strace $0x8000004A  }
0xa: {  	s8 =	ssub.s32 $0x2, s11;
	p0 =	seq.s32 s11, $0x1;
	s16 =	sor.u32 $0x1C02, s16  }
.Ltmp0:
0xb: {  	s10 =	sadd.s32 s6, s7;
	s9 =	sshrl.u32 s8, $0x1;
	(pc) =	sbr.rel .LBB2_1-.Ltmp0, $4  }
0xc: {  	s6 =	sadd.s32 $0x63C00, s7;
	s7 =	sadd.s32 $0x8BC00, s7;
	s12 =	sshrl.u32 s12, $0x2  }
0xd: {  	s13 =	ssub.s32 s8, s9;
	s8 =	sadd.s32 $0x5EC00, s10;
	s9 =	smul.u32 $0x2800, s2  }
0xe: {  	s10 =	sadd.s32 $0x4C00, s10;
	s17 =	sadd.s32 s12, s3;
	s13 =	smax.u32 s13, $0x1  }
0xf: {  	s17 =	sshrl.u32 s17, $0x3;
	s11 =	sadd.s32 s1, s9;
	s12 =	sadd.s32 s5, s9  }
.LBB2_7:
0x10: {  	s22 =	sshra.s32 s22, $0x2;
	[sflag:s14] =	ssyncadd.s32 $0xFFFFC000  }
0x11: {  	[tilespmem:s19], [sflag:$0x1] =	stream.indirect.gather [hbm4b:s5+s18], $0x80, s22, s18, $0xb8;
	[tilespmem:$0x1D000] =	vst v63  }
0x12: {  	_ =	swait.ge [sflag:s20], $0x4000  }
0x13: {  	[sflag:s20] =	ssyncset.done $0x0  }
0x14: {  	s22 =	sadd.s32 $0x2800, s22;
	[sflag:s20] =	ssyncadd.s32 $0xFFFFC000  }
0x15: {  	[spmem:s3] =	stream.indirect.scatter.add.f32 [tilespmem:s19], [sflag:$0x2], $0x80, s22, s18, $0xb8;
	[tilespmem:$0x1D000] =	vst v63  }
0x16: {  	_ =	swait.ge [sflag:s14], $0x4000  }
0x17: {  	[sflag:s14] =	ssyncset.done $0x0  }
0x18: {  	s22 =	smov.u32 s7;
	[sflag:s14] =	ssyncadd.s32 $0xFFFFC000  }
.LBB2_8:
0x19: {  	s21 =	sadd.s32 $0x1, s21  }
0x1a: {  	p1 =	sne.s32 s21, s13  }
.Ltmp1:
0x1b: {  	s22 =	sadd.s32 s22, s9;
	[bflag:$0x0] =	sbarrier.arrive $0xFFFF;
	(pc) =	sbr.rel @!p1 .LBB2_9-.Ltmp1, $4  }
0x1c: {  	[hbm:s22], [sflag:s16] =	dma.local [spmem:s17], $0x2800  }
0x1d: {  	_ =	swait.ge [sflag:s14], $0x2800  }
0x1e: {  	[sflag:s14] =	ssyncset.done $0x0  }
0x1f: {  	[sflag:s14] =	ssyncadd.s32 $0xFFFFD800  }
.LBB2_1:
0x20: {  	[tilespmem:s4], [sflag:$0x2] =	stream.linear.gather [hbm4b:s8+s4], $0x2800, $0x38;
	[tilespmem:$0x1D000] =	vst v63  }
0x21: {  	_ =	swait.ge [sflag:s14], $0x2800  }
0x22: {  	[sflag:s14] =	ssyncset.done $0x0  }
.Ltmp2:
0x23: {  	[sflag:s14] =	ssyncadd.s32 $0xFFFFD800;
	(pc) =	sbr.rel @!p0 .LBB2_2-.Ltmp2, $4  }
0x24: {  	[tilespmem:s15], [sflag:$0x2] =	stream.linear.gather [hbm4b:s10+s4], $0x2800, $0x38;
	[tilespmem:$0x1D000] =	vst v63  }
0x25: {  	_ =	swait.ge [sflag:s14], $0x2800  }
0x26: {  	[sflag:s14] =	ssyncset.done $0x0  }
0x27: {  	[sflag:s14] =	ssyncadd.s32 $0xFFFFD800  }
0x28: {  	[spmem:s17], [sflag:s16] =	dma.local [hbm:s12], $0x2800  }
0x29: {  	_ =	swait.ge [sflag:s14], $0x2800  }
0x2a: {  	[sflag:s14] =	ssyncset.done $0x0  }
0x2b: {  	[sflag:s14] =	ssyncadd.s32 $0xFFFFD800  }
0x2c: {  	s22 =	simm.s32 $0x0;
	[bflag:$0x0] =	sbarrier.arrive $0xFFFF  }
0x2d: {  	[tilespmem:s19], [sflag:$0x1] =	stream.indirect.gather [hbm4b:s5+s18], $0x80, s22, s18, $0xb8;
	[tilespmem:$0x1D000] =	vst v63  }
0x2e: {  	_ =	swait.ge [sflag:s20], $0x4000  }
0x2f: {  	[sflag:s20] =	ssyncset.done $0x0  }
0x30: {  	s31 =	simm.s32 $0x2800;
	[sflag:s20] =	ssyncadd.s32 $0xFFFFC000  }
0x31: {  	[spmem:s3] =	stream.indirect.scatter.add.f32 [tilespmem:s19], [sflag:$0x2], $0x80, s31, s18, $0xb8;
	[tilespmem:$0x1D000] =	vst v63  }
0x32: {  	_ =	swait.ge [sflag:s14], $0x4000  }
0x33: {  	s23 =	simm.s32 $0x400;
	s22 =	simm.s32 $0x200;
	[sflag:s14] =	ssyncset.done $0x0  }
.LBB2_6:
0x34: {  	s24 =	sshra.s32 s22, $0x2  }
0x35: {  	[sflag:s14] =	ssyncadd.s32 $0xFFFFC000;
	s22 =	smov.u32 s23;
	s25 =	sadd.s32 $0x200, s23  }
0x36: {  	[tilespmem:s19], [sflag:$0x1] =	stream.indirect.gather [hbm4b:s5+s18], $0x80, s24, s18, $0xb8;
	[tilespmem:$0x1D000] =	vst v63  }
0x37: {  	p1 =	sne.s32 s23, $0x9E00;
	_ =	swait.ge [sflag:s20], $0x4000  }
.Ltmp3:
0x38: {  	[sflag:s20] =	ssyncset.done $0x0;
	(pc) =	sbr.rel @p1 .LBB2_6-.Ltmp3, $4  }
0x39: {  	s23 =	sadd.s32 $0x2800, s24;
	[sflag:s20] =	ssyncadd.s32 $0xFFFFC000  }
0x3a: {  	[spmem:s3] =	stream.indirect.scatter.add.f32 [tilespmem:s19], [sflag:$0x2], $0x80, s23, s18, $0xb8;
	[tilespmem:$0x1D000] =	vst v63  }
0x3b: {  	_ =	swait.ge [sflag:s14], $0x4000  }
0x3c: {  	s23 =	smov.u32 s25;
	[sflag:s14] =	ssyncset.done $0x0  }
.Ltmp4:
0x3d: {  	_ = 	snop;
	(pc) =	sbr.rel .LBB2_7-.Ltmp4, $1  }
0x3e: {  	_ =	sdelay $0x3  }
.LBB2_2:
0x3f: {  	[spmem:s17], [sflag:s16] =	dma.local [hbm:s11], $0x2800  }
0x40: {  	_ =	swait.ge [sflag:s14], $0x2800  }
0x41: {  	[sflag:s14] =	ssyncset.done $0x0  }
0x42: {  	[sflag:s14] =	ssyncadd.s32 $0xFFFFD800  }
0x43: {  	s22 =	simm.s32 $0x0;
	[bflag:$0x0] =	sbarrier.arrive $0xFFFF  }
0x44: {  	[tilespmem:s19], [sflag:$0x1] =	stream.indirect.gather [hbm4b:s1+s18], $0x80, s22, s18, $0xb8;
	[tilespmem:$0x1D000] =	vst v63  }
0x45: {  	_ =	swait.ge [sflag:s20], $0x4000  }
0x46: {  	[sflag:s20] =	ssyncset.done $0x0  }
0x47: {  	s31 =	simm.s32 $0x2800;
	[sflag:s20] =	ssyncadd.s32 $0xFFFFC000  }
0x48: {  	[spmem:s3] =	stream.indirect.scatter.add.f32 [tilespmem:s19], [sflag:$0x2], $0x80, s31, s18, $0xb8;
	[tilespmem:$0x1D000] =	vst v63  }
0x49: {  	_ =	swait.ge [sflag:s14], $0x4000  }
0x4a: {  	s23 =	simm.s32 $0x400;
	s22 =	simm.s32 $0x200;
	[sflag:s14] =	ssyncset.done $0x0  }
.LBB2_3:
0x4b: {  	s24 =	sshra.s32 s22, $0x2  }
0x4c: {  	[sflag:s14] =	ssyncadd.s32 $0xFFFFC000;
	s22 =	smov.u32 s23;
	s25 =	sadd.s32 $0x200, s23  }
0x4d: {  	[tilespmem:s19], [sflag:$0x1] =	stream.indirect.gather [hbm4b:s1+s18], $0x80, s24, s18, $0xb8;
	[tilespmem:$0x1D000] =	vst v63  }
0x4e: {  	p1 =	seq.s32 s23, $0x9E00;
	_ =	swait.ge [sflag:s20], $0x4000  }
.Ltmp5:
0x4f: {  	[sflag:s20] =	ssyncset.done $0x0;
	(pc) =	sbr.rel @!p1 .LBB2_3-.Ltmp5, $4  }
0x50: {  	s23 =	sadd.s32 $0x2800, s24;
	[sflag:s20] =	ssyncadd.s32 $0xFFFFC000  }
0x51: {  	[spmem:s3] =	stream.indirect.scatter.add.f32 [tilespmem:s19], [sflag:$0x2], $0x80, s23, s18, $0xb8;
	[tilespmem:$0x1D000] =	vst v63  }
0x52: {  	_ =	swait.ge [sflag:s14], $0x4000  }
0x53: {  	s23 =	smov.u32 s25;
	[sflag:s14] =	ssyncset.done $0x0  }
0x54: {  	s22 =	sshra.s32 s22, $0x2;
	[sflag:s14] =	ssyncadd.s32 $0xFFFFC000  }
0x55: {  	[tilespmem:s19], [sflag:$0x1] =	stream.indirect.gather [hbm4b:s1+s18], $0x80, s22, s18, $0xb8;
	[tilespmem:$0x1D000] =	vst v63  }
0x56: {  	_ =	swait.ge [sflag:s20], $0x4000  }
0x57: {  	[sflag:s20] =	ssyncset.done $0x0  }
.Ltmp6:
0x58: {  	s22 =	sadd.s32 $0x2800, s22;
	[sflag:s20] =	ssyncadd.s32 $0xFFFFC000;
	(pc) =	sbr.rel .LBB2_8-.Ltmp6, $4  }
0x59: {  	[spmem:s3] =	stream.indirect.scatter.add.f32 [tilespmem:s19], [sflag:$0x2], $0x80, s22, s18, $0xb8;
	[tilespmem:$0x1D000] =	vst v63  }
0x5a: {  	_ =	swait.ge [sflag:s14], $0x4000  }
0x5b: {  	[sflag:s14] =	ssyncset.done $0x0  }
0x5c: {  	s22 =	smov.u32 s6;
	[sflag:s14] =	ssyncadd.s32 $0xFFFFC000  }
.LBB2_9:
0x5d: {  	_ =	sfence.sel $0x180000  }
0x5e: {  	[bflag:$0x0] =	sbarrier.arrive $0xFFFF  }
0x5f: {  	p0 =	sne.s32 s2, $0x0;
	_ =	strace $0x9000004A  }
0x60: {  	s0 =	sadd.s32 @!p0 $0x100000, s0;
	[bflag:$0x2] =	sbarrier.arrive $0xFFFF  }
0x61: {  	[sflag:s0] =	ssyncadd.tile.s32 @!p0 $0x1;
	_ =	shalt  }
.Lfunc_end2:
_tile_overlayer_lowered:
.L_overlay_start_2:
0x62: {  	(tag) =	ssettag $0x2  }
0x63: {  	s0 =	rddreg [dreg:$0x0];
	s2 =	stileid.u32  }
0x64: {  	s1 =	rddreg [dreg:$0x1];
	p0 =	sne.s32 s2, $0x0  }
0x65: {  	s3 =	rddreg [dreg:$0x2];
	[bflag:$0x3] =	sbarrier.arrive $0xFFFF;
	s2 =	simm.s32 @!p0 $0x1C02  }
0x66: {  	[timem:s3], [sflag:s2] =	dma.local @!p0 [hbm:s0], s1  }
0x67: {  	s0 =	simm.s32 @!p0 $0x2  }
0x68: {  	_ =	swait.ge @!p0 [sflag:s0], s1  }
0x69: {  	s1 =	ssub.s32 @!p0 $0x0, s1;
	[sflag:s0] =	ssyncset.done @!p0 $0x0  }
0x6a: {  	[sflag:s0] =	ssyncadd.s32 @!p0 s1  }
0x6b: {  	[bflag:$0x3] =	sbarrier.arrive $0xFFFF  }
0x6c: {  	_ =	shalt  }

// kernel: kernel.16.cloned.1.call-start
scs
__scs_entry_jumppad:
0x0: {  	(pc) =	sbr.rel $0x88, $3  }
0x1: {  	(tag) =	ssettag $0x0;
	lr =	simm.s32 $0x1  }
0x2: {  	[smem:$0x3F99] =	sst lr;
	_ =	strace $0xD0000000  }
0x3: {  	_ = 	snop  }
0x4: {  	_ = 	snop  }
0x5: {  	_ = 	snop  }
0x6: {  	_ = 	snop  }
0x7: {  	_ = 	snop  }
__scs_overlays_trampoline_lowered:
0x8: {  	[smem:$0x3FA8] =	sst s0  }
0x9: {  	[smem:$0x3FA9] =	sst s1  }
0xa: {  	[smem:$0x3FAA] =	sst s2  }
0xb: {  	[smem:$0x3FAB] =	sst s3  }
0xc: {  	[smem:$0x3FAC] =	sst s4  }
0xd: {  	[smem:$0x3FAD] =	sst s5  }
0xe: {  	[smem:$0x3FAE] =	sst s6  }
0xf: {  	[smem:$0x3FAF] =	sst s7  }
0x10: {  	[smem:$0x3FB0] =	sst s8  }
0x11: {  	[smem:$0x3FB1] =	sst s9;
	s0 =	simm.s32 @!p0 $0x0  }
0x12: {  	s1 =	sld [smem:$0x3F97];
	s0 =	simm.s32 @p0 $0x1  }
0x13: {  	[smem:$0x3FB2] =	sst s0;
	s0 =	simm.s32 @!p1 $0x0  }
0x14: {  	s2 =	sld [smem:$0x3F96];
	s0 =	simm.s32 @p1 $0x1  }
0x15: {  	[smem:$0x3FB3] =	sst s0;
	s0 =	simm.s32 @!p2 $0x0  }
0x16: {  	s3 =	sld [smem:$0x3FDB];
	s0 =	simm.s32 @p2 $0x1  }
0x17: {  	s4 =	simm.s32 $0x1BF5;
	[smem:$0x3FB5] =	sst s0  }
0x18: {  	s0 =	sld [smem:$0x3F98];
	_ =	swait.ge [sflag:s4], $0x0  }
0x19: {  	s7 =	sld [smem:$0x3F99]  }
0x1a: {  	s8 =	sadd.s32 $0xFFFFE003, lr  }
0x1b: {  	s9 =	sadd.s32 $0xFFFFFEF7, lr;
	s5 =	simm.s32 $0xFFFFFFFF;
	p2 =	slt.u32 s8, $0xFFFFF086  }
0x1c: {  	p1 =	slt.u32 s9, $0xF7A;
	s5 =	simm.s32 @!p2 $0x0  }
0x1d: {  	s5 =	simm.s32 @p1 $0x1;
	p0 =	seq.s32 s7, s2  }
0x1e: {  	s7 =	smul.u32 @!p0 $0xF7A, s2;
	p2 =	seq.s32 @!p0 s5, $0x0  }
0x1f: {  	s9 =	smul.u32 $0xF7A, s1;
	s8 =	simm.s32 @!p0 $0x1BF5;
	p2 =	por !p2, p0  }
0x20: {  	[sflag:s8] =	ssyncset.s32 @!p0 $0xFFFFF086;
	s6 =	sadd.s32 @!p0 s3, s7;
	s7 =	simm.s32 @!p0 $0x108  }
0x21: {  	s3 =	sadd.s32 s3, s9;
	s6 =	sadd.s32 @!p0 $0x88, s6;
	s7 =	simm.s32 @p2 $0x1082  }
0x22: {  	[simem:s7], [sflag:s8] =	dma.local @!p0 [hbm:s6], $0xF7A  }
0x23: {  	s9 =	sor.u32 $0xD0000000, s2;
	s6 =	simm.s32 $0x108;
	_ =	swait.ge @!p0 [sflag:s8], $0x0  }
0x24: {  	s3 =	sadd.s32 $0x88, s3;
	s6 =	simm.s32 @!p1 $0x1082;
	[sflag:s4] =	ssyncset.s32 $0xFFFFF086  }
0x25: {  	[simem:s6], [sflag:s4] =	dma.local [hbm:s3], $0xF7A  }
0x26: {  	[smem:$0x3F99] =	sst s1;
	(tag) =	ssettag s2;
	_ =	strace s9  }
0x27: {  	s1 =	sld [smem:$0x3FA9]  }
0x28: {  	s2 =	sld [smem:$0x3FAA]  }
0x29: {  	s4 =	sld [smem:$0x3FAC]  }
0x2a: {  	p0 =	seq.s32 s5, $0x0;
	s5 =	sld [smem:$0x3FAD]  }
0x2b: {  	s6 =	sld [smem:$0x3FAE]  }
0x2c: {  	s7 =	sld [smem:$0x3FAF]  }
0x2d: {  	s3 =	simm.s32 $0x108;
	s8 =	sld [smem:$0x3FB0]  }
0x2e: {  	s3 =	simm.s32 @!p0 $0x1082;
	s9 =	sld [smem:$0x3FB1]  }
0x2f: {  	lr =	sadd.s32 s0, s3;
	s0 =	sld [smem:$0x3FA8]  }
0x30: {  	s3 =	sld [smem:$0x3FAB]  }
0x31: {  	[smem:$0x3FB4] =	sst s10  }
0x32: {  	s10 =	sld [smem:$0x3FB2];
	_ =	sdelay $0x3  }
0x33: {  	p0 =	seq.s32 s10, $0x1;
	s10 =	sld [smem:$0x3FB4];
	_ =	sdelay $0x3  }
0x34: {  	[smem:$0x3FB4] =	sst s10  }
0x35: {  	s10 =	sld [smem:$0x3FB3];
	_ =	sdelay $0x3  }
0x36: {  	p1 =	seq.s32 s10, $0x1;
	s10 =	sld [smem:$0x3FB4];
	_ =	sdelay $0x3  }
0x37: {  	[smem:$0x3FB4] =	sst s10  }
0x38: {  	s10 =	sld [smem:$0x3FB5]  }
0x39: {  	_ = 	snop;
	(pc) =	sbr.ind lr, $3  }
0x3a: {  	_ = 	snop  }
0x3b: {  	_ = 	snop  }
0x3c: {  	p2 =	seq.s32 s10, $0x1;
	s10 =	sld [smem:$0x3FB4]  }
0x3d: {  	_ =	shalt  }
0x3e: {  	_ =	shalt  }
0x3f: {  	_ =	shalt  }
0x40: {  	_ =	shalt  }
0x41: {  	_ =	shalt  }
0x42: {  	_ =	shalt  }
0x43: {  	_ =	shalt  }
0x44: {  	_ =	shalt  }
0x45: {  	_ =	shalt  }
0x46: {  	_ =	shalt  }
0x47: {  	_ =	shalt  }
0x48: {  	_ =	shalt  }
0x49: {  	_ =	shalt  }
0x4a: {  	_ =	shalt  }
0x4b: {  	_ =	shalt  }
0x4c: {  	_ =	shalt  }
0x4d: {  	_ =	shalt  }
0x4e: {  	_ =	shalt  }
0x4f: {  	_ =	shalt  }
0x50: {  	_ =	shalt  }
0x51: {  	_ =	shalt  }
0x52: {  	_ =	shalt  }
0x53: {  	_ =	shalt  }
0x54: {  	_ =	shalt  }
0x55: {  	_ =	shalt  }
0x56: {  	_ =	shalt  }
0x57: {  	_ =	shalt  }
0x58: {  	_ =	shalt  }
0x59: {  	_ =	shalt  }
0x5a: {  	_ =	shalt  }
0x5b: {  	_ =	shalt  }
0x5c: {  	_ =	shalt  }
0x5d: {  	_ =	shalt  }
0x5e: {  	_ =	shalt  }
0x5f: {  	_ =	shalt  }
0x60: {  	_ =	shalt  }
0x61: {  	_ =	shalt  }
0x62: {  	_ =	shalt  }
0x63: {  	_ =	shalt  }
0x64: {  	_ =	shalt  }
0x65: {  	_ =	shalt  }
0x66: {  	_ =	shalt  }
0x67: {  	_ =	shalt  }
0x68: {  	_ =	shalt  }
0x69: {  	_ =	shalt  }
0x6a: {  	_ =	shalt  }
0x6b: {  	_ =	shalt  }
0x6c: {  	_ =	shalt  }
0x6d: {  	_ =	shalt  }
0x6e: {  	_ =	shalt  }
0x6f: {  	_ =	shalt  }
0x70: {  	_ =	shalt  }
0x71: {  	_ =	shalt  }
0x72: {  	_ =	shalt  }
0x73: {  	_ =	shalt  }
0x74: {  	_ =	shalt  }
0x75: {  	_ =	shalt  }
0x76: {  	_ =	shalt  }
0x77: {  	_ =	shalt  }
0x78: {  	_ =	shalt  }
0x79: {  	_ =	shalt  }
0x7a: {  	_ =	shalt  }
0x7b: {  	_ =	shalt  }
0x7c: {  	_ =	shalt  }
0x7d: {  	_ =	shalt  }
0x7e: {  	_ =	shalt  }
0x7f: {  	_ =	shalt  }
0x80: {  	_ =	shalt  }
0x81: {  	_ =	shalt  }
0x82: {  	_ =	shalt  }
0x83: {  	_ =	shalt  }
0x84: {  	_ =	shalt  }
0x85: {  	_ =	shalt  }
0x86: {  	_ =	shalt  }
0x87: {  	_ =	shalt  }
.Lfunc_end0:
.L_simem_size_0:
called_computation.2_lowered:
.L_overlay_start_0:
0x88: {  	s2 =	sld [smem:$0x3FD9]  }
0x89: {  	s3 =	sld [smem:$0x3FFE];
	_ =	sdelay $0x1  }
0x8a: {  	s1 =	srdreg.scid  }
0x8b: {  	s0 =	sand.u32 $0x1, s1  }
0x8c: {  	s17 =	sshll.u32 s0, $0xA;
	s2 =	sadd.s32 s3, s2  }
0x8d: {  	s2 =	sadd.s32 s2, s17  }
0x8e: {  	[smem:$0x3FC0] =	sst s2  }
0x8f: {  	_ = 	snop  }
0x90: {  	s2 =	sld [smem:$0x3FD0];
	(tm) =	ssettm $0x1  }
0x91: {  	s18 =	sld [smem:$0x3FFB];
	_ =	sdelay $0x3  }
0x92: {  	_ =	strace s18  }
0x93: {  	s3 =	sld [smem:$0x3FFC];
	_ =	sdelay $0x3  }
0x94: {  	_ =	strace s3  }
0x95: {  	s3 =	sld [smem:$0x3FFD];
	_ =	sdelay $0x3  }
0x96: {  	_ =	strace s3  }
0x97: {  	_ =	strace $0x8FFFFFFF  }
0x98: {  	s19 =	sld [smem:$0x3FDB];
	_ =	sdelay $0x1  }
0x99: {  	s4 =	simm.s32 $_scs_section_size  }
0x9a: {  	s5 =	simm.s32 $_size__tile_overlayer_lowered;
	s6 =	simm.s32 $_tile_overlayer_lowered  }
0x9b: {  	s22 =	simm.s32 $0x1BFF;
	s21 =	sshll.u32 s6, $0x1;
	s3 =	sadd.s32 s4, s19  }
0x9c: {  	s7 =	simm.s32 $0x0;
	s20 =	sshll.u32 s5, $0x1;
	s5 =	sadd.s32 s21, s3  }
0x9d: {  	[timem:s7], [sflag:s22] =	dma.local [hbm:s5], s20  }
0x9e: {  	_ =	swait.ge [sflag:s22], s20  }
0x9f: {  	s4 =	ssub.s32 $0x0, s20;
	[sflag:s22] =	ssyncset.done $0x0  }
0xa0: {  	[sflag:s22] =	ssyncadd.s32 s4;
	_ =	sdelay $0x1  }
0xa1: {  	s23 =	simm.s32 $0x1B8B  }
0xa2: {  	_ =	swait.ge [sflag:s23], $0x1  }
0xa3: {  	[sflag:s23] =	ssyncset.done $0x0  }
0xa4: {  	s25 =	simm.s32 $0x1B8E;
	s24 =	sld [smem:$0x3FFE];
	[sflag:s23] =	ssyncadd.s32 $0xFFFFFFFF  }
0xa5: {  	s26 =	simm.s32 $execute0_lowered;
	[smem:$0x3FD2] =	sst s25  }
0xa6: {  	s5 =	sshll.u32 s26, $0x1;
	_ =	strace $0x8000004C;
	[dreg:$0x1] =	wrdreg $0xFFFFFFFF  }
0xa7: {  	s28 =	simm.s32 $_size_execute0_lowered;
	s3 =	sadd.s32 s3, s5;
	[dreg:$0x0] =	wrdreg $0x0  }
0xa8: {  	s5 =	sshll.u32 s28, $0x1;
	[dreg:$0x2] =	wrdreg s3  }
0xa9: {  	[dreg:$0x3] =	wrdreg s5  }
0xaa: {  	[dreg:$0x4] =	wrdreg $0xC0  }
0xab: {  	_ =	task [dreg:s7], $0x5FFFF  }
0xac: {  	[dreg:$0x1] =	wrdreg $0xFFFFFFFF  }
0xad: {  	[dreg:$0x0] =	wrdreg $0x60  }
0xae: {  	[dreg:$0x2] =	wrdreg s2  }
0xaf: {  	[dreg:$0x3] =	wrdreg s24  }
0xb0: {  	[dreg:$0x4] =	wrdreg $0x90000  }
0xb1: {  	[dreg:$0x5] =	wrdreg $0x9  }
0xb2: {  	_ =	task.clear_ibuf [dreg:s7], $0x6FFFF;
	_ =	strace $0x9000004C  }
0xb3: {  	s29 =	simm.s32 $0x9;
	_ =	strace $0x8000004E  }
0xb4: {  	_ =	swait.ge [sflag:s29], $0x1  }
0xb5: {  	[sflag:s29] =	ssyncadd.s32 $0xFFFFFFFF  }
0xb6: {  	_ =	strace $0x9000004E  }
0xb7: {  	_ =	sfence  }
0xb8: {  	s30 =	sld [smem:$0x0];
	_ =	sdelay $0x2  }
0xb9: {  	s31 =	sshll.u32 s1, $0xD;
	s1 =	sshrl.u32 s1, $0x2  }
0xba: {  	s3 =	sand.u32 $0x4000, s31;
	s1 =	sadd.s32 s1, s30  }
0xbb: {  	s0 =	sor.u32 s3, s0;
	s1 =	sshll.u32 s1, $0x11  }
0xbc: {  	s0 =	sor.u32 s1, s0  }
0xbd: {  	s0 =	sadd.s32 $0x8F2B, s0  }
0xbe: {  	[sflag:s0] =	ssyncadd.remote.s32 $0x1  }
0xbf: {  	_ =	sfence.sel $0xFFFF  }
0xc0: {  	[dreg:$0x0] =	wrdreg $0xFFFFFFFF;
	(pc) =	sbr.abs _section_cstart, $3  }
0xc1: {  	[dreg:$0x1] =	wrdreg $0xFFFFFFFF  }
0xc2: {  	_ =	task.clear_ibuf [dreg:s7], $0x2FFFF;
	_ =	strace $0x9FFFFFFF  }
0xc3: {  	(tm) =	ssettm $0x7FFFFFFF  }
tec
execute0_lowered:
.L_overlay_start_1:
0x0: {  	(tag) =	ssettag $0x1  }
0x1: {  	s1 =	rddreg [dreg:$0x0]  }
0x2: {  	s7 =	rddreg [dreg:$0x1]  }
0x3: {  	s3 =	rddreg [dreg:$0x2]  }
0x4: {  	s0 =	rddreg [dreg:$0x3];
	s4 =	simm.s32 $0x0  }
0x5: {  	s2 =	stileid.u32;
	s5 =	srdreg.scid;
	s14 =	simm.s32 $0x2  }
0x6: {  	s15 =	simm.s32 $0x2800;
	s18 =	simm.s32 $0x80;
	s19 =	simm.s32 $0x5000  }
0x7: {  	s20 =	simm.s32 $0x1;
	s21 =	simm.s32 $0x0;
	[smem:$0x7FF] =	sst s4  }
0x8: {  	s6 =	smul.u32 $0x500, s2;
	s11 =	sand.u32 $0x1, s5;
	s5 =	sadd.s32 $0x9C00, s7  }
0x9: {  	s12 =	smul.u32 $0x50000, s2;
	s16 =	sshll.u32 s2, $0x6;
	_ =	strace $0x8000004D  }
0xa: {  	s8 =	ssub.s32 $0x2, s11;
	p0 =	seq.s32 s11, $0x1;
	s16 =	sor.u32 $0x1C02, s16  }
.Ltmp0:
0xb: {  	s10 =	sadd.s32 s6, s7;
	s9 =	sshrl.u32 s8, $0x1;
	(pc) =	sbr.rel .LBB2_1-.Ltmp0, $4  }
0xc: {  	s6 =	sadd.s32 $0x63C00, s7;
	s7 =	sadd.s32 $0x8BC00, s7;
	s12 =	sshrl.u32 s12, $0x2  }
0xd: {  	s13 =	ssub.s32 s8, s9;
	s8 =	sadd.s32 $0x5EC00, s10;
	s9 =	smul.u32 $0x2800, s2  }
0xe: {  	s10 =	sadd.s32 $0x4C00, s10;
	s17 =	sadd.s32 s12, s3;
	s13 =	smax.u32 s13, $0x1  }
0xf: {  	s17 =	sshrl.u32 s17, $0x3;
	s11 =	sadd.s32 s1, s9;
	s12 =	sadd.s32 s5, s9  }
.LBB2_7:
0x10: {  	s22 =	sshra.s32 s22, $0x2;
	[sflag:s14] =	ssyncadd.s32 $0xFFFFC000  }
0x11: {  	[tilespmem:s19], [sflag:$0x1] =	stream.indirect.gather [hbm4b:s5+s18], $0x80, s22, s18, $0xb8;
	[tilespmem:$0x1D000] =	vst v63  }
0x12: {  	_ =	swait.ge [sflag:s20], $0x4000  }
0x13: {  	[sflag:s20] =	ssyncset.done $0x0  }
0x14: {  	s22 =	sadd.s32 $0x2800, s22;
	[sflag:s20] =	ssyncadd.s32 $0xFFFFC000  }
0x15: {  	[spmem:s3] =	stream.indirect.scatter.add.f32 [tilespmem:s19], [sflag:$0x2], $0x80, s22, s18, $0xb8;
	[tilespmem:$0x1D000] =	vst v63  }
0x16: {  	_ =	swait.ge [sflag:s14], $0x4000  }
0x17: {  	[sflag:s14] =	ssyncset.done $0x0  }
0x18: {  	s22 =	smov.u32 s7;
	[sflag:s14] =	ssyncadd.s32 $0xFFFFC000  }
.LBB2_8:
0x19: {  	s21 =	sadd.s32 $0x1, s21  }
0x1a: {  	p1 =	sne.s32 s21, s13  }
.Ltmp1:
0x1b: {  	s22 =	sadd.s32 s22, s9;
	[bflag:$0x0] =	sbarrier.arrive $0xFFFF;
	(pc) =	sbr.rel @!p1 .LBB2_9-.Ltmp1, $4  }
0x1c: {  	[hbm:s22], [sflag:s16] =	dma.local [spmem:s17], $0x2800  }
0x1d: {  	_ =	swait.ge [sflag:s14], $0x2800  }
0x1e: {  	[sflag:s14] =	ssyncset.done $0x0  }
0x1f: {  	[sflag:s14] =	ssyncadd.s32 $0xFFFFD800  }
.LBB2_1:
0x20: {  	[tilespmem:s4], [sflag:$0x2] =	stream.linear.gather [hbm4b:s8+s4], $0x2800, $0x38;
	[tilespmem:$0x1D000] =	vst v63  }
0x21: {  	_ =	swait.ge [sflag:s14], $0x2800  }
0x22: {  	[sflag:s14] =	ssyncset.done $0x0  }
.Ltmp2:
0x23: {  	[sflag:s14] =	ssyncadd.s32 $0xFFFFD800;
	(pc) =	sbr.rel @!p0 .LBB2_2-.Ltmp2, $4  }
0x24: {  	[tilespmem:s15], [sflag:$0x2] =	stream.linear.gather [hbm4b:s10+s4], $0x2800, $0x38;
	[tilespmem:$0x1D000] =	vst v63  }
0x25: {  	_ =	swait.ge [sflag:s14], $0x2800  }
0x26: {  	[sflag:s14] =	ssyncset.done $0x0  }
0x27: {  	[sflag:s14] =	ssyncadd.s32 $0xFFFFD800  }
0x28: {  	[spmem:s17], [sflag:s16] =	dma.local [hbm:s12], $0x2800  }
0x29: {  	_ =	swait.ge [sflag:s14], $0x2800  }
0x2a: {  	[sflag:s14] =	ssyncset.done $0x0  }
0x2b: {  	[sflag:s14] =	ssyncadd.s32 $0xFFFFD800  }
0x2c: {  	s22 =	simm.s32 $0x0;
	[bflag:$0x0] =	sbarrier.arrive $0xFFFF  }
0x2d: {  	[tilespmem:s19], [sflag:$0x1] =	stream.indirect.gather [hbm4b:s5+s18], $0x80, s22, s18, $0xb8;
	[tilespmem:$0x1D000] =	vst v63  }
0x2e: {  	_ =	swait.ge [sflag:s20], $0x4000  }
0x2f: {  	[sflag:s20] =	ssyncset.done $0x0  }
0x30: {  	s31 =	simm.s32 $0x2800;
	[sflag:s20] =	ssyncadd.s32 $0xFFFFC000  }
0x31: {  	[spmem:s3] =	stream.indirect.scatter.add.f32 [tilespmem:s19], [sflag:$0x2], $0x80, s31, s18, $0xb8;
	[tilespmem:$0x1D000] =	vst v63  }
0x32: {  	_ =	swait.ge [sflag:s14], $0x4000  }
0x33: {  	s23 =	simm.s32 $0x400;
	s22 =	simm.s32 $0x200;
	[sflag:s14] =	ssyncset.done $0x0  }
.LBB2_6:
0x34: {  	s24 =	sshra.s32 s22, $0x2  }
0x35: {  	[sflag:s14] =	ssyncadd.s32 $0xFFFFC000;
	s22 =	smov.u32 s23;
	s25 =	sadd.s32 $0x200, s23  }
0x36: {  	[tilespmem:s19], [sflag:$0x1] =	stream.indirect.gather [hbm4b:s5+s18], $0x80, s24, s18, $0xb8;
	[tilespmem:$0x1D000] =	vst v63  }
0x37: {  	p1 =	sne.s32 s23, $0x9E00;
	_ =	swait.ge [sflag:s20], $0x4000  }
.Ltmp3:
0x38: {  	[sflag:s20] =	ssyncset.done $0x0;
	(pc) =	sbr.rel @p1 .LBB2_6-.Ltmp3, $4  }
0x39: {  	s23 =	sadd.s32 $0x2800, s24;
	[sflag:s20] =	ssyncadd.s32 $0xFFFFC000  }
0x3a: {  	[spmem:s3] =	stream.indirect.scatter.add.f32 [tilespmem:s19], [sflag:$0x2], $0x80, s23, s18, $0xb8;
	[tilespmem:$0x1D000] =	vst v63  }
0x3b: {  	_ =	swait.ge [sflag:s14], $0x4000  }
0x3c: {  	s23 =	smov.u32 s25;
	[sflag:s14] =	ssyncset.done $0x0  }
.Ltmp4:
0x3d: {  	_ = 	snop;
	(pc) =	sbr.rel .LBB2_7-.Ltmp4, $1  }
0x3e: {  	_ =	sdelay $0x3  }
.LBB2_2:
0x3f: {  	[spmem:s17], [sflag:s16] =	dma.local [hbm:s11], $0x2800  }
0x40: {  	_ =	swait.ge [sflag:s14], $0x2800  }
0x41: {  	[sflag:s14] =	ssyncset.done $0x0  }
0x42: {  	[sflag:s14] =	ssyncadd.s32 $0xFFFFD800  }
0x43: {  	s22 =	simm.s32 $0x0;
	[bflag:$0x0] =	sbarrier.arrive $0xFFFF  }
0x44: {  	[tilespmem:s19], [sflag:$0x1] =	stream.indirect.gather [hbm4b:s1+s18], $0x80, s22, s18, $0xb8;
	[tilespmem:$0x1D000] =	vst v63  }
0x45: {  	_ =	swait.ge [sflag:s20], $0x4000  }
0x46: {  	[sflag:s20] =	ssyncset.done $0x0  }
0x47: {  	s31 =	simm.s32 $0x2800;
	[sflag:s20] =	ssyncadd.s32 $0xFFFFC000  }
0x48: {  	[spmem:s3] =	stream.indirect.scatter.add.f32 [tilespmem:s19], [sflag:$0x2], $0x80, s31, s18, $0xb8;
	[tilespmem:$0x1D000] =	vst v63  }
0x49: {  	_ =	swait.ge [sflag:s14], $0x4000  }
0x4a: {  	s23 =	simm.s32 $0x400;
	s22 =	simm.s32 $0x200;
	[sflag:s14] =	ssyncset.done $0x0  }
.LBB2_3:
0x4b: {  	s24 =	sshra.s32 s22, $0x2  }
0x4c: {  	[sflag:s14] =	ssyncadd.s32 $0xFFFFC000;
	s22 =	smov.u32 s23;
	s25 =	sadd.s32 $0x200, s23  }
0x4d: {  	[tilespmem:s19], [sflag:$0x1] =	stream.indirect.gather [hbm4b:s1+s18], $0x80, s24, s18, $0xb8;
	[tilespmem:$0x1D000] =	vst v63  }
0x4e: {  	p1 =	seq.s32 s23, $0x9E00;
	_ =	swait.ge [sflag:s20], $0x4000  }
.Ltmp5:
0x4f: {  	[sflag:s20] =	ssyncset.done $0x0;
	(pc) =	sbr.rel @!p1 .LBB2_3-.Ltmp5, $4  }
0x50: {  	s23 =	sadd.s32 $0x2800, s24;
	[sflag:s20] =	ssyncadd.s32 $0xFFFFC000  }
0x51: {  	[spmem:s3] =	stream.indirect.scatter.add.f32 [tilespmem:s19], [sflag:$0x2], $0x80, s23, s18, $0xb8;
	[tilespmem:$0x1D000] =	vst v63  }
0x52: {  	_ =	swait.ge [sflag:s14], $0x4000  }
0x53: {  	s23 =	smov.u32 s25;
	[sflag:s14] =	ssyncset.done $0x0  }
0x54: {  	s22 =	sshra.s32 s22, $0x2;
	[sflag:s14] =	ssyncadd.s32 $0xFFFFC000  }
0x55: {  	[tilespmem:s19], [sflag:$0x1] =	stream.indirect.gather [hbm4b:s1+s18], $0x80, s22, s18, $0xb8;
	[tilespmem:$0x1D000] =	vst v63  }
0x56: {  	_ =	swait.ge [sflag:s20], $0x4000  }
0x57: {  	[sflag:s20] =	ssyncset.done $0x0  }
.Ltmp6:
0x58: {  	s22 =	sadd.s32 $0x2800, s22;
	[sflag:s20] =	ssyncadd.s32 $0xFFFFC000;
	(pc) =	sbr.rel .LBB2_8-.Ltmp6, $4  }
0x59: {  	[spmem:s3] =	stream.indirect.scatter.add.f32 [tilespmem:s19], [sflag:$0x2], $0x80, s22, s18, $0xb8;
	[tilespmem:$0x1D000] =	vst v63  }
0x5a: {  	_ =	swait.ge [sflag:s14], $0x4000  }
0x5b: {  	[sflag:s14] =	ssyncset.done $0x0  }
0x5c: {  	s22 =	smov.u32 s6;
	[sflag:s14] =	ssyncadd.s32 $0xFFFFC000  }
.LBB2_9:
0x5d: {  	_ =	sfence.sel $0x180000  }
0x5e: {  	[bflag:$0x0] =	sbarrier.arrive $0xFFFF  }
0x5f: {  	p0 =	sne.s32 s2, $0x0;
	_ =	strace $0x9000004D  }
0x60: {  	s0 =	sadd.s32 @!p0 $0x100000, s0;
	[bflag:$0x2] =	sbarrier.arrive $0xFFFF  }
0x61: {  	[sflag:s0] =	ssyncadd.tile.s32 @!p0 $0x1;
	_ =	shalt  }
.Lfunc_end2:
_tile_overlayer_lowered:
.L_overlay_start_2:
0x62: {  	(tag) =	ssettag $0x2  }
0x63: {  	s0 =	rddreg [dreg:$0x0];
	s2 =	stileid.u32  }
0x64: {  	s1 =	rddreg [dreg:$0x1];
	p0 =	sne.s32 s2, $0x0  }
0x65: {  	s3 =	rddreg [dreg:$0x2];
	[bflag:$0x3] =	sbarrier.arrive $0xFFFF;
	s2 =	simm.s32 @!p0 $0x1C02  }
0x66: {  	[timem:s3], [sflag:s2] =	dma.local @!p0 [hbm:s0], s1  }
0x67: {  	s0 =	simm.s32 @!p0 $0x2  }
0x68: {  	_ =	swait.ge @!p0 [sflag:s0], s1  }
0x69: {  	s1 =	ssub.s32 @!p0 $0x0, s1;
	[sflag:s0] =	ssyncset.done @!p0 $0x0  }
0x6a: {  	[sflag:s0] =	ssyncadd.s32 @!p0 s1  }
0x6b: {  	[bflag:$0x3] =	sbarrier.arrive $0xFFFF  }
0x6c: {  	_ =	shalt  }

// kernel: kernel.19.cloned.1.call-start
scs
__scs_entry_jumppad:
0x0: {  	(pc) =	sbr.rel $0x88, $3  }
0x1: {  	(tag) =	ssettag $0x0;
	lr =	simm.s32 $0x1  }
0x2: {  	[smem:$0x3F99] =	sst lr;
	_ =	strace $0xD0000000  }
0x3: {  	_ = 	snop  }
0x4: {  	_ = 	snop  }
0x5: {  	_ = 	snop  }
0x6: {  	_ = 	snop  }
0x7: {  	_ = 	snop  }
__scs_overlays_trampoline_lowered:
0x8: {  	[smem:$0x3FA8] =	sst s0  }
0x9: {  	[smem:$0x3FA9] =	sst s1  }
0xa: {  	[smem:$0x3FAA] =	sst s2  }
0xb: {  	[smem:$0x3FAB] =	sst s3  }
0xc: {  	[smem:$0x3FAC] =	sst s4  }
0xd: {  	[smem:$0x3FAD] =	sst s5  }
0xe: {  	[smem:$0x3FAE] =	sst s6  }
0xf: {  	[smem:$0x3FAF] =	sst s7  }
0x10: {  	[smem:$0x3FB0] =	sst s8  }
0x11: {  	[smem:$0x3FB1] =	sst s9;
	s0 =	simm.s32 @!p0 $0x0  }
0x12: {  	s1 =	sld [smem:$0x3F97];
	s0 =	simm.s32 @p0 $0x1  }
0x13: {  	[smem:$0x3FB2] =	sst s0;
	s0 =	simm.s32 @!p1 $0x0  }
0x14: {  	s2 =	sld [smem:$0x3F96];
	s0 =	simm.s32 @p1 $0x1  }
0x15: {  	[smem:$0x3FB3] =	sst s0;
	s0 =	simm.s32 @!p2 $0x0  }
0x16: {  	s3 =	sld [smem:$0x3FDB];
	s0 =	simm.s32 @p2 $0x1  }
0x17: {  	s4 =	simm.s32 $0x1BF5;
	[smem:$0x3FB5] =	sst s0  }
0x18: {  	s0 =	sld [smem:$0x3F98];
	_ =	swait.ge [sflag:s4], $0x0  }
0x19: {  	s7 =	sld [smem:$0x3F99]  }
0x1a: {  	s8 =	sadd.s32 $0xFFFFE003, lr  }
0x1b: {  	s9 =	sadd.s32 $0xFFFFFEF7, lr;
	s5 =	simm.s32 $0xFFFFFFFF;
	p2 =	slt.u32 s8, $0xFFFFF086  }
0x1c: {  	p1 =	slt.u32 s9, $0xF7A;
	s5 =	simm.s32 @!p2 $0x0  }
0x1d: {  	s5 =	simm.s32 @p1 $0x1;
	p0 =	seq.s32 s7, s2  }
0x1e: {  	s7 =	smul.u32 @!p0 $0xF7A, s2;
	p2 =	seq.s32 @!p0 s5, $0x0  }
0x1f: {  	s9 =	smul.u32 $0xF7A, s1;
	s8 =	simm.s32 @!p0 $0x1BF5;
	p2 =	por !p2, p0  }
0x20: {  	[sflag:s8] =	ssyncset.s32 @!p0 $0xFFFFF086;
	s6 =	sadd.s32 @!p0 s3, s7;
	s7 =	simm.s32 @!p0 $0x108  }
0x21: {  	s3 =	sadd.s32 s3, s9;
	s6 =	sadd.s32 @!p0 $0x88, s6;
	s7 =	simm.s32 @p2 $0x1082  }
0x22: {  	[simem:s7], [sflag:s8] =	dma.local @!p0 [hbm:s6], $0xF7A  }
0x23: {  	s9 =	sor.u32 $0xD0000000, s2;
	s6 =	simm.s32 $0x108;
	_ =	swait.ge @!p0 [sflag:s8], $0x0  }
0x24: {  	s3 =	sadd.s32 $0x88, s3;
	s6 =	simm.s32 @!p1 $0x1082;
	[sflag:s4] =	ssyncset.s32 $0xFFFFF086  }
0x25: {  	[simem:s6], [sflag:s4] =	dma.local [hbm:s3], $0xF7A  }
0x26: {  	[smem:$0x3F99] =	sst s1;
	(tag) =	ssettag s2;
	_ =	strace s9  }
0x27: {  	s1 =	sld [smem:$0x3FA9]  }
0x28: {  	s2 =	sld [smem:$0x3FAA]  }
0x29: {  	s4 =	sld [smem:$0x3FAC]  }
0x2a: {  	p0 =	seq.s32 s5, $0x0;
	s5 =	sld [smem:$0x3FAD]  }
0x2b: {  	s6 =	sld [smem:$0x3FAE]  }
0x2c: {  	s7 =	sld [smem:$0x3FAF]  }
0x2d: {  	s3 =	simm.s32 $0x108;
	s8 =	sld [smem:$0x3FB0]  }
0x2e: {  	s3 =	simm.s32 @!p0 $0x1082;
	s9 =	sld [smem:$0x3FB1]  }
0x2f: {  	lr =	sadd.s32 s0, s3;
	s0 =	sld [smem:$0x3FA8]  }
0x30: {  	s3 =	sld [smem:$0x3FAB]  }
0x31: {  	[smem:$0x3FB4] =	sst s10  }
0x32: {  	s10 =	sld [smem:$0x3FB2];
	_ =	sdelay $0x3  }
0x33: {  	p0 =	seq.s32 s10, $0x1;
	s10 =	sld [smem:$0x3FB4];
	_ =	sdelay $0x3  }
0x34: {  	[smem:$0x3FB4] =	sst s10  }
0x35: {  	s10 =	sld [smem:$0x3FB3];
	_ =	sdelay $0x3  }
0x36: {  	p1 =	seq.s32 s10, $0x1;
	s10 =	sld [smem:$0x3FB4];
	_ =	sdelay $0x3  }
0x37: {  	[smem:$0x3FB4] =	sst s10  }
0x38: {  	s10 =	sld [smem:$0x3FB5]  }
0x39: {  	_ = 	snop;
	(pc) =	sbr.ind lr, $3  }
0x3a: {  	_ = 	snop  }
0x3b: {  	_ = 	snop  }
0x3c: {  	p2 =	seq.s32 s10, $0x1;
	s10 =	sld [smem:$0x3FB4]  }
0x3d: {  	_ =	shalt  }
0x3e: {  	_ =	shalt  }
0x3f: {  	_ =	shalt  }
0x40: {  	_ =	shalt  }
0x41: {  	_ =	shalt  }
0x42: {  	_ =	shalt  }
0x43: {  	_ =	shalt  }
0x44: {  	_ =	shalt  }
0x45: {  	_ =	shalt  }
0x46: {  	_ =	shalt  }
0x47: {  	_ =	shalt  }
0x48: {  	_ =	shalt  }
0x49: {  	_ =	shalt  }
0x4a: {  	_ =	shalt  }
0x4b: {  	_ =	shalt  }
0x4c: {  	_ =	shalt  }
0x4d: {  	_ =	shalt  }
0x4e: {  	_ =	shalt  }
0x4f: {  	_ =	shalt  }
0x50: {  	_ =	shalt  }
0x51: {  	_ =	shalt  }
0x52: {  	_ =	shalt  }
0x53: {  	_ =	shalt  }
0x54: {  	_ =	shalt  }
0x55: {  	_ =	shalt  }
0x56: {  	_ =	shalt  }
0x57: {  	_ =	shalt  }
0x58: {  	_ =	shalt  }
0x59: {  	_ =	shalt  }
0x5a: {  	_ =	shalt  }
0x5b: {  	_ =	shalt  }
0x5c: {  	_ =	shalt  }
0x5d: {  	_ =	shalt  }
0x5e: {  	_ =	shalt  }
0x5f: {  	_ =	shalt  }
0x60: {  	_ =	shalt  }
0x61: {  	_ =	shalt  }
0x62: {  	_ =	shalt  }
0x63: {  	_ =	shalt  }
0x64: {  	_ =	shalt  }
0x65: {  	_ =	shalt  }
0x66: {  	_ =	shalt  }
0x67: {  	_ =	shalt  }
0x68: {  	_ =	shalt  }
0x69: {  	_ =	shalt  }
0x6a: {  	_ =	shalt  }
0x6b: {  	_ =	shalt  }
0x6c: {  	_ =	shalt  }
0x6d: {  	_ =	shalt  }
0x6e: {  	_ =	shalt  }
0x6f: {  	_ =	shalt  }
0x70: {  	_ =	shalt  }
0x71: {  	_ =	shalt  }
0x72: {  	_ =	shalt  }
0x73: {  	_ =	shalt  }
0x74: {  	_ =	shalt  }
0x75: {  	_ =	shalt  }
0x76: {  	_ =	shalt  }
0x77: {  	_ =	shalt  }
0x78: {  	_ =	shalt  }
0x79: {  	_ =	shalt  }
0x7a: {  	_ =	shalt  }
0x7b: {  	_ =	shalt  }
0x7c: {  	_ =	shalt  }
0x7d: {  	_ =	shalt  }
0x7e: {  	_ =	shalt  }
0x7f: {  	_ =	shalt  }
0x80: {  	_ =	shalt  }
0x81: {  	_ =	shalt  }
0x82: {  	_ =	shalt  }
0x83: {  	_ =	shalt  }
0x84: {  	_ =	shalt  }
0x85: {  	_ =	shalt  }
0x86: {  	_ =	shalt  }
0x87: {  	_ =	shalt  }
.Lfunc_end0:
.L_simem_size_0:
called_computation.3_lowered:
.L_overlay_start_0:
0x88: {  	s2 =	sld [smem:$0x3FD9]  }
0x89: {  	s3 =	sld [smem:$0x3FFE];
	_ =	sdelay $0x1  }
0x8a: {  	s1 =	srdreg.scid  }
0x8b: {  	s0 =	sand.u32 $0x1, s1  }
0x8c: {  	s17 =	sshll.u32 s0, $0xA;
	s2 =	sadd.s32 s3, s2  }
0x8d: {  	s2 =	sadd.s32 s2, s17  }
0x8e: {  	[smem:$0x3FC0] =	sst s2  }
0x8f: {  	_ = 	snop  }
0x90: {  	s2 =	sld [smem:$0x3FD0];
	(tm) =	ssettm $0x1  }
0x91: {  	s18 =	sld [smem:$0x3FFB];
	_ =	sdelay $0x3  }
0x92: {  	_ =	strace s18  }
0x93: {  	s3 =	sld [smem:$0x3FFC];
	_ =	sdelay $0x3  }
0x94: {  	_ =	strace s3  }
0x95: {  	s3 =	sld [smem:$0x3FFD];
	_ =	sdelay $0x3  }
0x96: {  	_ =	strace s3  }
0x97: {  	_ =	strace $0x8FFFFFFF  }
0x98: {  	s19 =	sld [smem:$0x3FDB];
	_ =	sdelay $0x1  }
0x99: {  	s4 =	simm.s32 $_scs_section_size  }
0x9a: {  	s5 =	simm.s32 $_size__tile_overlayer_lowered;
	s6 =	simm.s32 $_tile_overlayer_lowered  }
0x9b: {  	s22 =	simm.s32 $0x1BFF;
	s21 =	sshll.u32 s6, $0x1;
	s3 =	sadd.s32 s4, s19  }
0x9c: {  	s7 =	simm.s32 $0x0;
	s20 =	sshll.u32 s5, $0x1;
	s5 =	sadd.s32 s21, s3  }
0x9d: {  	[timem:s7], [sflag:s22] =	dma.local [hbm:s5], s20  }
0x9e: {  	_ =	swait.ge [sflag:s22], s20  }
0x9f: {  	s4 =	ssub.s32 $0x0, s20;
	[sflag:s22] =	ssyncset.done $0x0  }
0xa0: {  	[sflag:s22] =	ssyncadd.s32 s4;
	_ =	sdelay $0x1  }
0xa1: {  	s23 =	simm.s32 $0x1B8B  }
0xa2: {  	_ =	swait.ge [sflag:s23], $0x1  }
0xa3: {  	[sflag:s23] =	ssyncset.done $0x0  }
0xa4: {  	s25 =	simm.s32 $0x1B8E;
	s24 =	sld [smem:$0x3FFE];
	[sflag:s23] =	ssyncadd.s32 $0xFFFFFFFF  }
0xa5: {  	s26 =	simm.s32 $execute0_lowered;
	[smem:$0x3FD2] =	sst s25  }
0xa6: {  	s5 =	sshll.u32 s26, $0x1;
	_ =	strace $0x8000004F;
	[dreg:$0x1] =	wrdreg $0xFFFFFFFF  }
0xa7: {  	s28 =	simm.s32 $_size_execute0_lowered;
	s3 =	sadd.s32 s3, s5;
	[dreg:$0x0] =	wrdreg $0x0  }
0xa8: {  	s5 =	sshll.u32 s28, $0x1;
	[dreg:$0x2] =	wrdreg s3  }
0xa9: {  	[dreg:$0x3] =	wrdreg s5  }
0xaa: {  	[dreg:$0x4] =	wrdreg $0xC0  }
0xab: {  	_ =	task [dreg:s7], $0x5FFFF  }
0xac: {  	[dreg:$0x1] =	wrdreg $0xFFFFFFFF  }
0xad: {  	[dreg:$0x0] =	wrdreg $0x60  }
0xae: {  	[dreg:$0x2] =	wrdreg s2  }
0xaf: {  	[dreg:$0x3] =	wrdreg s24  }
0xb0: {  	[dreg:$0x4] =	wrdreg $0x90000  }
0xb1: {  	[dreg:$0x5] =	wrdreg $0x9  }
0xb2: {  	_ =	task.clear_ibuf [dreg:s7], $0x6FFFF;
	_ =	strace $0x9000004F  }
0xb3: {  	s29 =	simm.s32 $0x9;
	_ =	strace $0x80000051  }
0xb4: {  	_ =	swait.ge [sflag:s29], $0x1  }
0xb5: {  	[sflag:s29] =	ssyncadd.s32 $0xFFFFFFFF  }
0xb6: {  	_ =	strace $0x90000051  }
0xb7: {  	_ =	sfence  }
0xb8: {  	s30 =	sld [smem:$0x0];
	_ =	sdelay $0x2  }
0xb9: {  	s31 =	sshll.u32 s1, $0xD;
	s1 =	sshrl.u32 s1, $0x2  }
0xba: {  	s3 =	sand.u32 $0x4000, s31;
	s1 =	sadd.s32 s1, s30  }
0xbb: {  	s0 =	sor.u32 s3, s0;
	s1 =	sshll.u32 s1, $0x11  }
0xbc: {  	s0 =	sor.u32 s1, s0  }
0xbd: {  	s0 =	sadd.s32 $0x8F2B, s0  }
0xbe: {  	[sflag:s0] =	ssyncadd.remote.s32 $0x1  }
0xbf: {  	_ =	sfence.sel $0xFFFF  }
0xc0: {  	[dreg:$0x0] =	wrdreg $0xFFFFFFFF;
	(pc) =	sbr.abs _section_cstart, $3  }
0xc1: {  	[dreg:$0x1] =	wrdreg $0xFFFFFFFF  }
0xc2: {  	_ =	task.clear_ibuf [dreg:s7], $0x2FFFF;
	_ =	strace $0x9FFFFFFF  }
0xc3: {  	(tm) =	ssettm $0x7FFFFFFF  }
tec
execute0_lowered:
.L_overlay_start_1:
0x0: {  	(tag) =	ssettag $0x1  }
0x1: {  	s1 =	rddreg [dreg:$0x0]  }
0x2: {  	s7 =	rddreg [dreg:$0x1]  }
0x3: {  	s3 =	rddreg [dreg:$0x2]  }
0x4: {  	s0 =	rddreg [dreg:$0x3];
	s4 =	simm.s32 $0x0  }
0x5: {  	s2 =	stileid.u32;
	s5 =	srdreg.scid;
	s14 =	simm.s32 $0x2  }
0x6: {  	s15 =	simm.s32 $0x2800;
	s18 =	simm.s32 $0x80;
	s19 =	simm.s32 $0x5000  }
0x7: {  	s20 =	simm.s32 $0x1;
	s21 =	simm.s32 $0x0;
	[smem:$0x7FF] =	sst s4  }
0x8: {  	s6 =	smul.u32 $0x500, s2;
	s11 =	sand.u32 $0x1, s5;
	s5 =	sadd.s32 $0x9C00, s7  }
0x9: {  	s12 =	smul.u32 $0x50000, s2;
	s16 =	sshll.u32 s2, $0x6;
	_ =	strace $0x80000050  }
0xa: {  	s8 =	ssub.s32 $0x2, s11;
	p0 =	seq.s32 s11, $0x1;
	s16 =	sor.u32 $0x1C02, s16  }
.Ltmp0:
0xb: {  	s10 =	sadd.s32 s6, s7;
	s9 =	sshrl.u32 s8, $0x1;
	(pc) =	sbr.rel .LBB2_1-.Ltmp0, $4  }
0xc: {  	s6 =	sadd.s32 $0x63C00, s7;
	s7 =	sadd.s32 $0x8BC00, s7;
	s12 =	sshrl.u32 s12, $0x2  }
0xd: {  	s13 =	ssub.s32 s8, s9;
	s8 =	sadd.s32 $0x5EC00, s10;
	s9 =	smul.u32 $0x2800, s2  }
0xe: {  	s10 =	sadd.s32 $0x4C00, s10;
	s17 =	sadd.s32 s12, s3;
	s13 =	smax.u32 s13, $0x1  }
0xf: {  	s17 =	sshrl.u32 s17, $0x3;
	s11 =	sadd.s32 s1, s9;
	s12 =	sadd.s32 s5, s9  }
.LBB2_7:
0x10: {  	s22 =	sshra.s32 s22, $0x2;
	[sflag:s14] =	ssyncadd.s32 $0xFFFFC000  }
0x11: {  	[tilespmem:s19], [sflag:$0x1] =	stream.indirect.gather [hbm4b:s5+s18], $0x80, s22, s18, $0xb8;
	[tilespmem:$0x1D000] =	vst v63  }
0x12: {  	_ =	swait.ge [sflag:s20], $0x4000  }
0x13: {  	[sflag:s20] =	ssyncset.done $0x0  }
0x14: {  	s22 =	sadd.s32 $0x2800, s22;
	[sflag:s20] =	ssyncadd.s32 $0xFFFFC000  }
0x15: {  	[spmem:s3] =	stream.indirect.scatter.add.f32 [tilespmem:s19], [sflag:$0x2], $0x80, s22, s18, $0xb8;
	[tilespmem:$0x1D000] =	vst v63  }
0x16: {  	_ =	swait.ge [sflag:s14], $0x4000  }
0x17: {  	[sflag:s14] =	ssyncset.done $0x0  }
0x18: {  	s22 =	smov.u32 s7;
	[sflag:s14] =	ssyncadd.s32 $0xFFFFC000  }
.LBB2_8:
0x19: {  	s21 =	sadd.s32 $0x1, s21  }
0x1a: {  	p1 =	sne.s32 s21, s13  }
.Ltmp1:
0x1b: {  	s22 =	sadd.s32 s22, s9;
	[bflag:$0x0] =	sbarrier.arrive $0xFFFF;
	(pc) =	sbr.rel @!p1 .LBB2_9-.Ltmp1, $4  }
0x1c: {  	[hbm:s22], [sflag:s16] =	dma.local [spmem:s17], $0x2800  }
0x1d: {  	_ =	swait.ge [sflag:s14], $0x2800  }
0x1e: {  	[sflag:s14] =	ssyncset.done $0x0  }
0x1f: {  	[sflag:s14] =	ssyncadd.s32 $0xFFFFD800  }
.LBB2_1:
0x20: {  	[tilespmem:s4], [sflag:$0x2] =	stream.linear.gather [hbm4b:s8+s4], $0x2800, $0x38;
	[tilespmem:$0x1D000] =	vst v63  }
0x21: {  	_ =	swait.ge [sflag:s14], $0x2800  }
0x22: {  	[sflag:s14] =	ssyncset.done $0x0  }
.Ltmp2:
0x23: {  	[sflag:s14] =	ssyncadd.s32 $0xFFFFD800;
	(pc) =	sbr.rel @!p0 .LBB2_2-.Ltmp2, $4  }
0x24: {  	[tilespmem:s15], [sflag:$0x2] =	stream.linear.gather [hbm4b:s10+s4], $0x2800, $0x38;
	[tilespmem:$0x1D000] =	vst v63  }
0x25: {  	_ =	swait.ge [sflag:s14], $0x2800  }
0x26: {  	[sflag:s14] =	ssyncset.done $0x0  }
0x27: {  	[sflag:s14] =	ssyncadd.s32 $0xFFFFD800  }
0x28: {  	[spmem:s17], [sflag:s16] =	dma.local [hbm:s12], $0x2800  }
0x29: {  	_ =	swait.ge [sflag:s14], $0x2800  }
0x2a: {  	[sflag:s14] =	ssyncset.done $0x0  }
0x2b: {  	[sflag:s14] =	ssyncadd.s32 $0xFFFFD800  }
0x2c: {  	s22 =	simm.s32 $0x0;
	[bflag:$0x0] =	sbarrier.arrive $0xFFFF  }
0x2d: {  	[tilespmem:s19], [sflag:$0x1] =	stream.indirect.gather [hbm4b:s5+s18], $0x80, s22, s18, $0xb8;
	[tilespmem:$0x1D000] =	vst v63  }
0x2e: {  	_ =	swait.ge [sflag:s20], $0x4000  }
0x2f: {  	[sflag:s20] =	ssyncset.done $0x0  }
0x30: {  	s31 =	simm.s32 $0x2800;
	[sflag:s20] =	ssyncadd.s32 $0xFFFFC000  }
0x31: {  	[spmem:s3] =	stream.indirect.scatter.add.f32 [tilespmem:s19], [sflag:$0x2], $0x80, s31, s18, $0xb8;
	[tilespmem:$0x1D000] =	vst v63  }
0x32: {  	_ =	swait.ge [sflag:s14], $0x4000  }
0x33: {  	s23 =	simm.s32 $0x400;
	s22 =	simm.s32 $0x200;
	[sflag:s14] =	ssyncset.done $0x0  }
.LBB2_6:
0x34: {  	s24 =	sshra.s32 s22, $0x2  }
0x35: {  	[sflag:s14] =	ssyncadd.s32 $0xFFFFC000;
	s22 =	smov.u32 s23;
	s25 =	sadd.s32 $0x200, s23  }
0x36: {  	[tilespmem:s19], [sflag:$0x1] =	stream.indirect.gather [hbm4b:s5+s18], $0x80, s24, s18, $0xb8;
	[tilespmem:$0x1D000] =	vst v63  }
0x37: {  	p1 =	sne.s32 s23, $0x9E00;
	_ =	swait.ge [sflag:s20], $0x4000  }
.Ltmp3:
0x38: {  	[sflag:s20] =	ssyncset.done $0x0;
	(pc) =	sbr.rel @p1 .LBB2_6-.Ltmp3, $4  }
0x39: {  	s23 =	sadd.s32 $0x2800, s24;
	[sflag:s20] =	ssyncadd.s32 $0xFFFFC000  }
0x3a: {  	[spmem:s3] =	stream.indirect.scatter.add.f32 [tilespmem:s19], [sflag:$0x2], $0x80, s23, s18, $0xb8;
	[tilespmem:$0x1D000] =	vst v63  }
0x3b: {  	_ =	swait.ge [sflag:s14], $0x4000  }
0x3c: {  	s23 =	smov.u32 s25;
	[sflag:s14] =	ssyncset.done $0x0  }
.Ltmp4:
0x3d: {  	_ = 	snop;
	(pc) =	sbr.rel .LBB2_7-.Ltmp4, $1  }
0x3e: {  	_ =	sdelay $0x3  }
.LBB2_2:
0x3f: {  	[spmem:s17], [sflag:s16] =	dma.local [hbm:s11], $0x2800  }
0x40: {  	_ =	swait.ge [sflag:s14], $0x2800  }
0x41: {  	[sflag:s14] =	ssyncset.done $0x0  }
0x42: {  	[sflag:s14] =	ssyncadd.s32 $0xFFFFD800  }
0x43: {  	s22 =	simm.s32 $0x0;
	[bflag:$0x0] =	sbarrier.arrive $0xFFFF  }
0x44: {  	[tilespmem:s19], [sflag:$0x1] =	stream.indirect.gather [hbm4b:s1+s18], $0x80, s22, s18, $0xb8;
	[tilespmem:$0x1D000] =	vst v63  }
0x45: {  	_ =	swait.ge [sflag:s20], $0x4000  }
0x46: {  	[sflag:s20] =	ssyncset.done $0x0  }
0x47: {  	s31 =	simm.s32 $0x2800;
	[sflag:s20] =	ssyncadd.s32 $0xFFFFC000  }
0x48: {  	[spmem:s3] =	stream.indirect.scatter.add.f32 [tilespmem:s19], [sflag:$0x2], $0x80, s31, s18, $0xb8;
	[tilespmem:$0x1D000] =	vst v63  }
0x49: {  	_ =	swait.ge [sflag:s14], $0x4000  }
0x4a: {  	s23 =	simm.s32 $0x400;
	s22 =	simm.s32 $0x200;
	[sflag:s14] =	ssyncset.done $0x0  }
.LBB2_3:
0x4b: {  	s24 =	sshra.s32 s22, $0x2  }
0x4c: {  	[sflag:s14] =	ssyncadd.s32 $0xFFFFC000;
	s22 =	smov.u32 s23;
	s25 =	sadd.s32 $0x200, s23  }
0x4d: {  	[tilespmem:s19], [sflag:$0x1] =	stream.indirect.gather [hbm4b:s1+s18], $0x80, s24, s18, $0xb8;
	[tilespmem:$0x1D000] =	vst v63  }
0x4e: {  	p1 =	seq.s32 s23, $0x9E00;
	_ =	swait.ge [sflag:s20], $0x4000  }
.Ltmp5:
0x4f: {  	[sflag:s20] =	ssyncset.done $0x0;
	(pc) =	sbr.rel @!p1 .LBB2_3-.Ltmp5, $4  }
0x50: {  	s23 =	sadd.s32 $0x2800, s24;
	[sflag:s20] =	ssyncadd.s32 $0xFFFFC000  }
0x51: {  	[spmem:s3] =	stream.indirect.scatter.add.f32 [tilespmem:s19], [sflag:$0x2], $0x80, s23, s18, $0xb8;
	[tilespmem:$0x1D000] =	vst v63  }
0x52: {  	_ =	swait.ge [sflag:s14], $0x4000  }
0x53: {  	s23 =	smov.u32 s25;
	[sflag:s14] =	ssyncset.done $0x0  }
0x54: {  	s22 =	sshra.s32 s22, $0x2;
	[sflag:s14] =	ssyncadd.s32 $0xFFFFC000  }
0x55: {  	[tilespmem:s19], [sflag:$0x1] =	stream.indirect.gather [hbm4b:s1+s18], $0x80, s22, s18, $0xb8;
	[tilespmem:$0x1D000] =	vst v63  }
0x56: {  	_ =	swait.ge [sflag:s20], $0x4000  }
0x57: {  	[sflag:s20] =	ssyncset.done $0x0  }
.Ltmp6:
0x58: {  	s22 =	sadd.s32 $0x2800, s22;
	[sflag:s20] =	ssyncadd.s32 $0xFFFFC000;
	(pc) =	sbr.rel .LBB2_8-.Ltmp6, $4  }
0x59: {  	[spmem:s3] =	stream.indirect.scatter.add.f32 [tilespmem:s19], [sflag:$0x2], $0x80, s22, s18, $0xb8;
	[tilespmem:$0x1D000] =	vst v63  }
0x5a: {  	_ =	swait.ge [sflag:s14], $0x4000  }
0x5b: {  	[sflag:s14] =	ssyncset.done $0x0  }
0x5c: {  	s22 =	smov.u32 s6;
	[sflag:s14] =	ssyncadd.s32 $0xFFFFC000  }
.LBB2_9:
0x5d: {  	_ =	sfence.sel $0x180000  }
0x5e: {  	[bflag:$0x0] =	sbarrier.arrive $0xFFFF  }
0x5f: {  	p0 =	sne.s32 s2, $0x0;
	_ =	strace $0x90000050  }
0x60: {  	s0 =	sadd.s32 @!p0 $0x100000, s0;
	[bflag:$0x2] =	sbarrier.arrive $0xFFFF  }
0x61: {  	[sflag:s0] =	ssyncadd.tile.s32 @!p0 $0x1;
	_ =	shalt  }
.Lfunc_end2:
_tile_overlayer_lowered:
.L_overlay_start_2:
0x62: {  	(tag) =	ssettag $0x2  }
0x63: {  	s0 =	rddreg [dreg:$0x0];
	s2 =	stileid.u32  }
0x64: {  	s1 =	rddreg [dreg:$0x1];
	p0 =	sne.s32 s2, $0x0  }
0x65: {  	s3 =	rddreg [dreg:$0x2];
	[bflag:$0x3] =	sbarrier.arrive $0xFFFF;
	s2 =	simm.s32 @!p0 $0x1C02  }
0x66: {  	[timem:s3], [sflag:s2] =	dma.local @!p0 [hbm:s0], s1  }
0x67: {  	s0 =	simm.s32 @!p0 $0x2  }
0x68: {  	_ =	swait.ge @!p0 [sflag:s0], s1  }
0x69: {  	s1 =	ssub.s32 @!p0 $0x0, s1;
	[sflag:s0] =	ssyncset.done @!p0 $0x0  }
0x6a: {  	[sflag:s0] =	ssyncadd.s32 @!p0 s1  }
0x6b: {  	[bflag:$0x3] =	sbarrier.arrive $0xFFFF  }
0x6c: {  	_ =	shalt  }

</sc_bundles>
